<compile_context>
chip_gen: v7x
topology: tpu7x:2x2x1
jax: 0.10.2.dev20260603
libtpu: 0.0.44.dev20260713+nightly
codegen_flags: <defaults>
</compile_context>

<pallas_src>
import functools

import jax
import jax.numpy as jnp
from jax import lax
from jax.experimental import pallas as pl
from jax.experimental.pallas import tpu as pltpu
from jax.experimental.pallas import tpu_sc as plsc

N = 1000
NP = 1024
H = 4
D = 64
E = 100
EP = 128
HID = H * D
L = 5
NSUB = 16
SLAB = HID // NSUB


def _dot(a, b):
    return jnp.dot(a, b, preferred_element_type=jnp.float32)


def _lrelu(x):
    return jnp.where(x >= 0, x, 0.2 * x)



def _tc_layer(first, prev, W, As, Ad, b, erow, ecol):
    def body(prev_ref, W_ref, As_ref, Ad_ref, b_ref, erow_ref, ecol_ref,
             h_ref, sp_ref, we_ref):
        srow = erow_ref[0:1, :]
        drow = erow_ref[1:2, :]
        vrow = erow_ref[2:3, :]
        dcol = ecol_ref[:, 1:2]

        n_iota = lax.broadcasted_iota(
            jnp.int32, (NP, EP), 0).astype(jnp.float32)
        s_src = jnp.where(n_iota == srow, 1.0, 0.0)
        s_dstg = jnp.where(n_iota == drow, 1.0, 0.0)
        e_iota = lax.broadcasted_iota(
            jnp.int32, (EP, NP), 1).astype(jnp.float32)
        s_dstT = jnp.where(e_iota == dcol, 1.0, 0.0)

        r_iota = lax.broadcasted_iota(jnp.int32, (HID, 8), 0)
        h_iota = lax.broadcasted_iota(jnp.int32, (HID, 8), 1)
        rexp = jnp.where(r_iota // D == h_iota, 1.0, 0.0)
        c_iota = lax.broadcasted_iota(jnp.int32, (8, HID), 1)
        g_iota = lax.broadcasted_iota(jnp.int32, (8, HID), 0)
        asel = jnp.where(c_iota // D == g_iota, 1.0, 0.0)

        xT = prev_ref[...]
        if not first:
            xT = jnp.where(xT > 0, xT, jnp.exp(jnp.minimum(xT, 0.0)) - 1.0)
        hT = _dot(W_ref[...], xT)
        al_s = _dot(asel, As_ref[...] * hT)
        al_d = _dot(asel, Ad_ref[...] * hT)
        self_a = _lrelu(al_s + al_d)

        ase = _dot(al_s, s_src)
        ade = _dot(al_d, s_dstg)
        ae = _lrelu(ase + ade)
        ce = _dot(self_a, s_dstg)
        ee = jnp.exp(ae - ce) * vrow

        s = _dot(ee, s_dstT) + (1.0 + 1e-16)
        inv_s = 1.0 / s
        se = _dot(s, s_dstg)
        we = ee / (se + (1.0 - vrow))

        h_ref[...] = hT
        sp_ref[...] = _dot(rexp, inv_s) * hT + b_ref[...]
        we_ref[...] = _dot(rexp, we)

    return pl.pallas_call(
        body,
        out_shape=(
            jax.ShapeDtypeStruct((HID, NP), jnp.float32),
            jax.ShapeDtypeStruct((HID, NP), jnp.float32),
            jax.ShapeDtypeStruct((HID, EP), jnp.float32),
        ),
    )(prev, W, As, Ad, b, erow, ecol)



def _sc_layer_body(h_hbm, sp_hbm, we_hbm, src_hbm, dst_hbm, out_hbm,
                   acc, hs, ws, sidx, didx, sem):
    cid = lax.axis_index("c")
    sid = lax.axis_index("s")

    @pl.when(cid == 0)
    def _():
        base = sid * (SLAB * NP)
        copies = [
            pltpu.async_copy(sp_hbm.at[pl.ds(base, SLAB * NP)], acc, sem),
            pltpu.async_copy(h_hbm.at[pl.ds(base, SLAB * NP)], hs, sem),
            pltpu.async_copy(
                we_hbm.at[pl.ds(sid * (SLAB * EP), SLAB * EP)], ws, sem),
            pltpu.async_copy(src_hbm, sidx, sem),
            pltpu.async_copy(dst_hbm, didx, sem),
        ]
        for c in copies:
            c.wait()

        f_iota = lax.iota(jnp.int32, 16)

        def edge_body(i, carry):
            for j in range(2):
                e_splat = jnp.full((16,), i * 2 + j, jnp.int32)
                srcv = plsc.load_gather(sidx, [e_splat])
                dstv = plsc.load_gather(didx, [e_splat])
                wv = plsc.load_gather(ws, [f_iota * EP + e_splat])
                hv = plsc.load_gather(hs, [f_iota * NP + srcv])
                plsc.addupdate_scatter(acc, [f_iota * NP + dstv], hv * wv)
            return carry

        lax.fori_loop(0, EP // 2, edge_body, 0)
        pltpu.sync_copy(acc, out_hbm.at[pl.ds(base, SLAB * NP)])


_SC_MESH = plsc.VectorSubcoreMesh(core_axis_name="c", subcore_axis_name="s")

_sc_layer = functools.partial(
    pl.kernel,
    mesh=_SC_MESH,
    compiler_params=pltpu.CompilerParams(needs_layout_passes=False),
    out_type=jax.ShapeDtypeStruct((HID * NP,), jnp.float32),
    scratch_types=[
        pltpu.VMEM((SLAB * NP,), jnp.float32),
        pltpu.VMEM((SLAB * NP,), jnp.float32),
        pltpu.VMEM((SLAB * EP,), jnp.float32),
        pltpu.VMEM((EP,), jnp.int32),
        pltpu.VMEM((EP,), jnp.int32),
        pltpu.SemaphoreType.DMA,
    ],
)(_sc_layer_body)



def kernel(L_x_, L_edge_index_, L_self_modules_convs_modules_0_modules_lin_parameters_weight_, L_self_modules_convs_modules_0_parameters_att_src_, L_self_modules_convs_modules_0_parameters_att_dst_, L_self_modules_convs_modules_0_parameters_bias_, L_self_modules_convs_modules_1_modules_lin_parameters_weight_, L_self_modules_convs_modules_1_parameters_att_src_, L_self_modules_convs_modules_1_parameters_att_dst_, L_self_modules_convs_modules_1_parameters_bias_, L_self_modules_convs_modules_2_modules_lin_parameters_weight_, L_self_modules_convs_modules_2_parameters_att_src_, L_self_modules_convs_modules_2_parameters_att_dst_, L_self_modules_convs_modules_2_parameters_bias_, L_self_modules_convs_modules_3_modules_lin_parameters_weight_, L_self_modules_convs_modules_3_parameters_att_src_, L_self_modules_convs_modules_3_parameters_att_dst_, L_self_modules_convs_modules_3_parameters_bias_, L_self_modules_convs_modules_4_modules_lin_parameters_weight_, L_self_modules_convs_modules_4_parameters_att_src_, L_self_modules_convs_modules_4_parameters_att_dst_, L_self_modules_convs_modules_4_parameters_bias_):
    kw = dict(locals())
    x = kw['L_x_']
    ei = kw['L_edge_index_']
    src_i = ei[0]
    dst_i = ei[1]
    valid_b = src_i != dst_i
    pad = EP - E

    src_f = jnp.pad(src_i.astype(jnp.float32), (0, pad), constant_values=-1.0)
    dst_f = jnp.pad(dst_i.astype(jnp.float32), (0, pad), constant_values=-1.0)
    val_f = jnp.pad(valid_b.astype(jnp.float32), (0, pad))
    erow = jnp.zeros((8, EP), jnp.float32)
    erow = erow.at[0].set(src_f).at[1].set(dst_f).at[2].set(val_f)
    ecol = jnp.zeros((EP, 8), jnp.float32)
    ecol = ecol.at[:, 0].set(src_f).at[:, 1].set(dst_f).at[:, 2].set(val_f)

    srcg = jnp.pad(src_i, (0, pad)).astype(jnp.int32)
    dstg = jnp.pad(jnp.where(valid_b, dst_i, N), (0, pad),
                   constant_values=N).astype(jnp.int32)

    xT = jnp.zeros((HID, NP), jnp.float32).at[:, :N].set(x.T)

    prev = xT
    for li in range(L):
        W = kw['L_self_modules_convs_modules_%d_modules_lin_parameters_weight_' % li]
        a_s = kw['L_self_modules_convs_modules_%d_parameters_att_src_' % li]
        a_d = kw['L_self_modules_convs_modules_%d_parameters_att_dst_' % li]
        b = kw['L_self_modules_convs_modules_%d_parameters_bias_' % li]
        hT, spT, weT = _tc_layer(li == 0, prev, W,
                                 a_s.reshape(HID, 1), a_d.reshape(HID, 1),
                                 b.reshape(HID, 1), erow, ecol)
        outT_f = _sc_layer(hT.reshape(HID * NP), spT.reshape(HID * NP),
                           weT.reshape(HID * EP), srcg, dstg)
        prev = outT_f.reshape(HID, NP)
    return prev[:, :N].T

# --- scband reference (transcript-rebuilt; emitter-appended) ---
"""Pipeline reference for scband-graph-module-59012850647688 (READ-ONLY COPY).

The authoritative reference and input builder live on the scoring server;
editing this copy changes nothing except your own understanding.
"""

import jax, jax.numpy as jnp
import numpy as np

N = 1000
H = 4
D = 64
E = 100
HID = H * D

PARAM_NAMES = []
for _li in range(5):
    PARAM_NAMES += [
        'L_self_modules_convs_modules_%d_modules_lin_parameters_weight_' % _li,
        'L_self_modules_convs_modules_%d_parameters_att_src_' % _li,
        'L_self_modules_convs_modules_%d_parameters_att_dst_' % _li,
        'L_self_modules_convs_modules_%d_parameters_bias_' % _li,
    ]


def setup_inputs(seed: int = 0) -> dict:
    key = jax.random.key(seed)
    ks = jax.random.split(key, 2 + 20)
    inp = {}
    inp['L_x_'] = jax.random.normal(ks[0], (N, HID), dtype=jnp.float32)
    inp['L_edge_index_'] = jax.random.randint(ks[1], (2, E), 0, N, dtype=jnp.int32)
    shapes = [(HID, HID), (1, H, D), (1, H, D), (HID,)]
    for i, name in enumerate(PARAM_NAMES):
        shp = shapes[i % 4]
        inp[name] = jax.random.normal(ks[2 + i], shp, dtype=jnp.float32) * 0.05
    return inp


def gat_layer(x, W, a_src, a_dst, b, full_src, full_dst):
    h = x @ W.T
    xs = h.reshape(-1, H, D)
    alpha_src = (xs * a_src).sum(-1)
    alpha_dst = (xs * a_dst).sum(-1)
    alpha = alpha_src[full_src] + alpha_dst[full_dst]
    alpha = jnp.where(alpha >= 0, alpha, 0.2 * alpha)
    amax = jax.lax.stop_gradient(jax.ops.segment_max(alpha, full_dst, num_segments=N))
    e = jnp.exp(alpha - amax[full_dst])
    s = jax.ops.segment_sum(e, full_dst, num_segments=N) + 1e-16
    a = e / s[full_dst]
    msg = a[:, :, None] * xs[full_src]
    out = jax.ops.segment_sum(msg, full_dst, num_segments=N)
    return out.reshape(-1, HID) + b


def reference(
    L_x_,
    L_edge_index_,
    L_self_modules_convs_modules_0_modules_lin_parameters_weight_,
    L_self_modules_convs_modules_0_parameters_att_src_,
    L_self_modules_convs_modules_0_parameters_att_dst_,
    L_self_modules_convs_modules_0_parameters_bias_,
    L_self_modules_convs_modules_1_modules_lin_parameters_weight_,
    L_self_modules_convs_modules_1_parameters_att_src_,
    L_self_modules_convs_modules_1_parameters_att_dst_,
    L_self_modules_convs_modules_1_parameters_bias_,
    L_self_modules_convs_modules_2_modules_lin_parameters_weight_,
    L_self_modules_convs_modules_2_parameters_att_src_,
    L_self_modules_convs_modules_2_parameters_att_dst_,
    L_self_modules_convs_modules_2_parameters_bias_,
    L_self_modules_convs_modules_3_modules_lin_parameters_weight_,
    L_self_modules_convs_modules_3_parameters_att_src_,
    L_self_modules_convs_modules_3_parameters_att_dst_,
    L_self_modules_convs_modules_3_parameters_bias_,
    L_self_modules_convs_modules_4_modules_lin_parameters_weight_,
    L_self_modules_convs_modules_4_parameters_att_src_,
    L_self_modules_convs_modules_4_parameters_att_dst_,
    L_self_modules_convs_modules_4_parameters_bias_,
):
    kw = dict(locals())
    x = kw['L_x_']
    ei = kw['L_edge_index_']
    src, dst = ei[0], ei[1]
    mask = src != dst
    n_id = jnp.asarray(N, dtype=ei.dtype)
    edge_src = src
    edge_dst = jnp.where(mask, dst, n_id)
    loop = jnp.arange(N, dtype=ei.dtype)
    full_src = jnp.concatenate([edge_src, loop])
    full_dst = jnp.concatenate([edge_dst, loop])
    for li in range(5):
        W = kw['L_self_modules_convs_modules_%d_modules_lin_parameters_weight_' % li]
        a_src = kw['L_self_modules_convs_modules_%d_parameters_att_src_' % li]
        a_dst = kw['L_self_modules_convs_modules_%d_parameters_att_dst_' % li]
        b = kw['L_self_modules_convs_modules_%d_parameters_bias_' % li]
        x = gat_layer(x, W, a_src, a_dst, b, full_src, full_dst)
        if li < 4:
            x = jax.nn.elu(x)
    return x

if __name__ == "__main__":
    import jax
    _d = setup_inputs()
    print(jax.jit(kernel)(*tuple(_d.values())))

</pallas_src>

<mosaic_0001>
#map = affine_map<(d0, d1) -> (0)>
module attributes {stable_mosaic.version = 14 : i64} {
  func.func @_sc_layer_body(%arg0: i32, %arg1: i32, %arg2: memref<262144xf32, #tpu.memory_space<hbm>>, %arg3: memref<262144xf32, #tpu.memory_space<hbm>>, %arg4: memref<32768xf32, #tpu.memory_space<hbm>>, %arg5: memref<128xi32, #tpu.memory_space<hbm>>, %arg6: memref<128xi32, #tpu.memory_space<hbm>>, %arg7: memref<262144xf32, #tpu.memory_space<hbm>>, %arg8: memref<16384xf32, #tpu.memory_space<vmem>>, %arg9: memref<16384xf32, #tpu.memory_space<vmem>>, %arg10: memref<2048xf32, #tpu.memory_space<vmem>>, %arg11: memref<128xi32, #tpu.memory_space<vmem>>, %arg12: memref<128xi32, #tpu.memory_space<vmem>>, %arg13: memref<!tpu.dma_semaphore, #tpu.memory_space<semaphore_mem>>) attributes {dimension_semantics = [#tpu.dimension_semantics<core_parallel>, #tpu.dimension_semantics<subcore_parallel>], iteration_bounds = array<i64: 2, 16>, scalar_prefetch = 0 : i64, scratch_operands = 6 : i64, tpu.core_type = #tpu.core_type<sc_vector_subcore>, window_params = [{transform_indices = #map}, {transform_indices = #map}, {transform_indices = #map}, {transform_indices = #map}, {transform_indices = #map}, {transform_indices = #map}]} {
    %eq3A = arith.constant 0 : i32
    %eq3A_0 = arith.cmpi eq, %arg0, %eq3A : i32
    %convert_element_type3A = arith.extui %eq3A_0 : i1 to i32
    %cond3A = arith.constant 0 : i32
    %cond3A_1 = arith.cmpi ne, %convert_element_type3A, %cond3A : i32
    scf.if %cond3A_1 {
      %mul3A = arith.constant 16384 : i32
      %mul3A_2 = arith.muli %arg1, %mul3A : i32
      %dma_start3A = tpu.memref_slice %arg3[%mul3A_2] : memref<262144xf32, #tpu.memory_space<hbm>> -> memref<16384xf32, #tpu.memory_space<hbm>>
      %dma_start3A_3 = tpu.memref_slice %arg3[%mul3A_2] : memref<262144xf32, #tpu.memory_space<hbm>> -> memref<16384xf32, #tpu.memory_space<hbm>>
      tpu.enqueue_dma source(%dma_start3A_3 : memref<16384xf32, #tpu.memory_space<hbm>>) target(%arg8 : memref<16384xf32, #tpu.memory_space<vmem>>) target_semaphore(%arg13 : memref<!tpu.dma_semaphore, #tpu.memory_space<semaphore_mem>>)
      %dma_start3A_4 = tpu.memref_slice %arg2[%mul3A_2] : memref<262144xf32, #tpu.memory_space<hbm>> -> memref<16384xf32, #tpu.memory_space<hbm>>
      %dma_start3A_5 = tpu.memref_slice %arg2[%mul3A_2] : memref<262144xf32, #tpu.memory_space<hbm>> -> memref<16384xf32, #tpu.memory_space<hbm>>
      tpu.enqueue_dma source(%dma_start3A_5 : memref<16384xf32, #tpu.memory_space<hbm>>) target(%arg9 : memref<16384xf32, #tpu.memory_space<vmem>>) target_semaphore(%arg13 : memref<!tpu.dma_semaphore, #tpu.memory_space<semaphore_mem>>)
      %mul3A_6 = arith.constant 2048 : i32
      %mul3A_7 = arith.muli %arg1, %mul3A_6 : i32
      %dma_start3A_8 = tpu.memref_slice %arg4[%mul3A_7] : memref<32768xf32, #tpu.memory_space<hbm>> -> memref<2048xf32, #tpu.memory_space<hbm>>
      %dma_start3A_9 = tpu.memref_slice %arg4[%mul3A_7] : memref<32768xf32, #tpu.memory_space<hbm>> -> memref<2048xf32, #tpu.memory_space<hbm>>
      tpu.enqueue_dma source(%dma_start3A_9 : memref<2048xf32, #tpu.memory_space<hbm>>) target(%arg10 : memref<2048xf32, #tpu.memory_space<vmem>>) target_semaphore(%arg13 : memref<!tpu.dma_semaphore, #tpu.memory_space<semaphore_mem>>)
      tpu.enqueue_dma source(%arg5 : memref<128xi32, #tpu.memory_space<hbm>>) target(%arg11 : memref<128xi32, #tpu.memory_space<vmem>>) target_semaphore(%arg13 : memref<!tpu.dma_semaphore, #tpu.memory_space<semaphore_mem>>)
      tpu.enqueue_dma source(%arg6 : memref<128xi32, #tpu.memory_space<hbm>>) target(%arg12 : memref<128xi32, #tpu.memory_space<vmem>>) target_semaphore(%arg13 : memref<!tpu.dma_semaphore, #tpu.memory_space<semaphore_mem>>)
      %dma_wait3A = tpu.memref_slice %arg3[%mul3A_2] : memref<262144xf32, #tpu.memory_space<hbm>> -> memref<16384xf32, #tpu.memory_space<hbm>>
      %dma_wait3A_10 = tpu.memref_slice %arg3[%mul3A_2] : memref<262144xf32, #tpu.memory_space<hbm>> -> memref<16384xf32, #tpu.memory_space<hbm>>
      tpu.wait_dma2 semaphore(%arg13 : memref<!tpu.dma_semaphore, #tpu.memory_space<semaphore_mem>>) src(%dma_wait3A_10 : memref<16384xf32, #tpu.memory_space<hbm>>) dst(%arg8 : memref<16384xf32, #tpu.memory_space<vmem>>)
      %dma_wait3A_11 = tpu.memref_slice %arg2[%mul3A_2] : memref<262144xf32, #tpu.memory_space<hbm>> -> memref<16384xf32, #tpu.memory_space<hbm>>
      %dma_wait3A_12 = tpu.memref_slice %arg2[%mul3A_2] : memref<262144xf32, #tpu.memory_space<hbm>> -> memref<16384xf32, #tpu.memory_space<hbm>>
      tpu.wait_dma2 semaphore(%arg13 : memref<!tpu.dma_semaphore, #tpu.memory_space<semaphore_mem>>) src(%dma_wait3A_12 : memref<16384xf32, #tpu.memory_space<hbm>>) dst(%arg9 : memref<16384xf32, #tpu.memory_space<vmem>>)
      %dma_wait3A_13 = tpu.memref_slice %arg4[%mul3A_7] : memref<32768xf32, #tpu.memory_space<hbm>> -> memref<2048xf32, #tpu.memory_space<hbm>>
      %dma_wait3A_14 = tpu.memref_slice %arg4[%mul3A_7] : memref<32768xf32, #tpu.memory_space<hbm>> -> memref<2048xf32, #tpu.memory_space<hbm>>
      tpu.wait_dma2 semaphore(%arg13 : memref<!tpu.dma_semaphore, #tpu.memory_space<semaphore_mem>>) src(%dma_wait3A_14 : memref<2048xf32, #tpu.memory_space<hbm>>) dst(%arg10 : memref<2048xf32, #tpu.memory_space<vmem>>)
      tpu.wait_dma2 semaphore(%arg13 : memref<!tpu.dma_semaphore, #tpu.memory_space<semaphore_mem>>) src(%arg5 : memref<128xi32, #tpu.memory_space<hbm>>) dst(%arg11 : memref<128xi32, #tpu.memory_space<vmem>>)
      tpu.wait_dma2 semaphore(%arg13 : memref<!tpu.dma_semaphore, #tpu.memory_space<semaphore_mem>>) src(%arg6 : memref<128xi32, #tpu.memory_space<hbm>>) dst(%arg12 : memref<128xi32, #tpu.memory_space<vmem>>)
      %iota3A = tpu.iota {dimensions = array<i32: 0>} : vector<16xi32>
      %scan3A = arith.constant 0 : i32
      %scan3A_15 = arith.constant 0 : i32
      %scan3A_16 = arith.constant 64 : i32
      %scan3A_17 = arith.addi %scan3A_15, %scan3A_16 : i32
      %scan3A_18 = arith.constant 1 : i32
      scf.for %scan3A_20 = %scan3A_15 to %scan3A_17 step %scan3A_18  : i32 {
        %mul3A_21 = arith.constant 2 : i32
        %mul3A_22 = arith.muli %scan3A_20, %mul3A_21 : i32
        %add3A = arith.constant 0 : i32
        %add3A_23 = arith.addi %mul3A_22, %add3A : i32
        %broadcast_in_dim3A = vector.broadcast %add3A_23 : i32 to vector<16xi32>
        %gather3A = tpu.vector_load_idx %arg11[%broadcast_in_dim3A] : memref<128xi32, #tpu.memory_space<vmem>>[vector<16xi32>], vector<16xi32>,
        %gather3A_24 = tpu.vector_load_idx %arg12[%broadcast_in_dim3A] : memref<128xi32, #tpu.memory_space<vmem>>[vector<16xi32>], vector<16xi32>,
        %mul3A_25 = arith.constant 128 : i32
        %mul3A_26 = vector.broadcast %mul3A_25 : i32 to vector<16xi32>
        %mul3A_27 = arith.muli %iota3A, %mul3A_26 : vector<16xi32>
        %add3A_28 = arith.addi %mul3A_27, %broadcast_in_dim3A : vector<16xi32>
        %gather3A_29 = tpu.vector_load_idx %arg10[%add3A_28] : memref<2048xf32, #tpu.memory_space<vmem>>[vector<16xi32>], vector<16xf32>,
        %mul3A_30 = arith.constant 1024 : i32
        %mul3A_31 = vector.broadcast %mul3A_30 : i32 to vector<16xi32>
        %mul3A_32 = arith.muli %iota3A, %mul3A_31 : vector<16xi32>
        %add3A_33 = arith.addi %mul3A_32, %gather3A : vector<16xi32>
        %gather3A_34 = tpu.vector_load_idx %arg9[%add3A_33] : memref<16384xf32, #tpu.memory_space<vmem>>[vector<16xi32>], vector<16xf32>,
        %mul3A_35 = arith.constant 1024 : i32
        %mul3A_36 = vector.broadcast %mul3A_35 : i32 to vector<16xi32>
        %mul3A_37 = arith.muli %iota3A, %mul3A_36 : vector<16xi32>
        %add3A_38 = arith.addi %mul3A_37, %gather3A_24 : vector<16xi32>
        %mul3A_39 = arith.mulf %gather3A_34, %gather3A_29 : vector<16xf32>
        tpu.vector_store_idx %arg8[%add3A_38], %mul3A_39 {add = true} : memref<16384xf32, #tpu.memory_space<vmem>>[vector<16xi32>], vector<16xf32>,
        %mul3A_40 = arith.constant 2 : i32
        %mul3A_41 = arith.muli %scan3A_20, %mul3A_40 : i32
        %add3A_42 = arith.constant 1 : i32
        %add3A_43 = arith.addi %mul3A_41, %add3A_42 : i32
        %broadcast_in_dim3A_44 = vector.broadcast %add3A_43 : i32 to vector<16xi32>
        %gather3A_45 = tpu.vector_load_idx %arg11[%broadcast_in_dim3A_44] : memref<128xi32, #tpu.memory_space<vmem>>[vector<16xi32>], vector<16xi32>,
        %gather3A_46 = tpu.vector_load_idx %arg12[%broadcast_in_dim3A_44] : memref<128xi32, #tpu.memory_space<vmem>>[vector<16xi32>], vector<16xi32>,
        %mul3A_47 = arith.constant 128 : i32
        %mul3A_48 = vector.broadcast %mul3A_47 : i32 to vector<16xi32>
        %mul3A_49 = arith.muli %iota3A, %mul3A_48 : vector<16xi32>
        %add3A_50 = arith.addi %mul3A_49, %broadcast_in_dim3A_44 : vector<16xi32>
        %gather3A_51 = tpu.vector_load_idx %arg10[%add3A_50] : memref<2048xf32, #tpu.memory_space<vmem>>[vector<16xi32>], vector<16xf32>,
        %mul3A_52 = arith.constant 1024 : i32
        %mul3A_53 = vector.broadcast %mul3A_52 : i32 to vector<16xi32>
        %mul3A_54 = arith.muli %iota3A, %mul3A_53 : vector<16xi32>
        %add3A_55 = arith.addi %mul3A_54, %gather3A_45 : vector<16xi32>
        %gather3A_56 = tpu.vector_load_idx %arg9[%add3A_55] : memref<16384xf32, #tpu.memory_space<vmem>>[vector<16xi32>], vector<16xf32>,
        %mul3A_57 = arith.constant 1024 : i32
        %mul3A_58 = vector.broadcast %mul3A_57 : i32 to vector<16xi32>
        %mul3A_59 = arith.muli %iota3A, %mul3A_58 : vector<16xi32>
        %add3A_60 = arith.addi %mul3A_59, %gather3A_46 : vector<16xi32>
        %mul3A_61 = arith.mulf %gather3A_56, %gather3A_51 : vector<16xf32>
        tpu.vector_store_idx %arg8[%add3A_60], %mul3A_61 {add = true} : memref<16384xf32, #tpu.memory_space<vmem>>[vector<16xi32>], vector<16xf32>,
      }
      %scan3A_19 = arith.constant 64 : i32
      "tpu.region"() ({
        %run_scoped3A = tpu.sem_alloc : memref<!tpu.dma_semaphore, #tpu.memory_space<semaphore_mem>>
        %dma_start3A_20 = tpu.memref_slice %arg7[%mul3A_2] : memref<262144xf32, #tpu.memory_space<hbm>> -> memref<16384xf32, #tpu.memory_space<hbm>>
        %dma_start3A_21 = tpu.memref_slice %arg7[%mul3A_2] : memref<262144xf32, #tpu.memory_space<hbm>> -> memref<16384xf32, #tpu.memory_space<hbm>>
        tpu.enqueue_dma source(%arg8 : memref<16384xf32, #tpu.memory_space<vmem>>) target(%dma_start3A_21 : memref<16384xf32, #tpu.memory_space<hbm>>) target_semaphore(%run_scoped3A : memref<!tpu.dma_semaphore, #tpu.memory_space<semaphore_mem>>)
        %dma_wait3A_22 = tpu.memref_slice %arg7[%mul3A_2] : memref<262144xf32, #tpu.memory_space<hbm>> -> memref<16384xf32, #tpu.memory_space<hbm>>
        %dma_wait3A_23 = tpu.memref_slice %arg7[%mul3A_2] : memref<262144xf32, #tpu.memory_space<hbm>> -> memref<16384xf32, #tpu.memory_space<hbm>>
        tpu.wait_dma2 semaphore(%run_scoped3A : memref<!tpu.dma_semaphore, #tpu.memory_space<semaphore_mem>>) src(%arg8 : memref<16384xf32, #tpu.memory_space<vmem>>) dst(%dma_wait3A_23 : memref<16384xf32, #tpu.memory_space<hbm>>)
        tpu.yield
      }) : () -> ()
    } else {
    }
    return
  }
}

#map = affine_map<(d0, d1) -> (0)>
module attributes {stable_mosaic.version = 14 : i64} {
  func.func @_sc_layer_body(%arg0: i32, %arg1: i32, %arg2: memref<262144xf32, #tpu.memory_space<hbm>>, %arg3: memref<262144xf32, #tpu.memory_space<hbm>>, %arg4: memref<32768xf32, #tpu.memory_space<hbm>>, %arg5: memref<128xi32, #tpu.memory_space<hbm>>, %arg6: memref<128xi32, #tpu.memory_space<hbm>>, %arg7: memref<262144xf32, #tpu.memory_space<hbm>>, %arg8: memref<16384xf32, #tpu.memory_space<vmem>>, %arg9: memref<16384xf32, #tpu.memory_space<vmem>>, %arg10: memref<2048xf32, #tpu.memory_space<vmem>>, %arg11: memref<128xi32, #tpu.memory_space<vmem>>, %arg12: memref<128xi32, #tpu.memory_space<vmem>>, %arg13: memref<!tpu.dma_semaphore, #tpu.memory_space<semaphore_mem>>) attributes {dimension_semantics = [#tpu.dimension_semantics<core_parallel>, #tpu.dimension_semantics<subcore_parallel>], iteration_bounds = array<i64: 2, 16>, scalar_prefetch = 0 : i64, scratch_operands = 6 : i64, tpu.core_type = #tpu.core_type<sc_vector_subcore>, window_params = [{transform_indices = #map}, {transform_indices = #map}, {transform_indices = #map}, {transform_indices = #map}, {transform_indices = #map}, {transform_indices = #map}]} {
    %eq3A = arith.constant 0 : i32
    %eq3A_0 = arith.cmpi eq, %arg0, %eq3A : i32
    %convert_element_type3A = arith.extui %eq3A_0 : i1 to i32
    %cond3A = arith.constant 0 : i32
    %cond3A_1 = arith.cmpi ne, %convert_element_type3A, %cond3A : i32
    scf.if %cond3A_1 {
      %mul3A = arith.constant 16384 : i32
      %mul3A_2 = arith.muli %arg1, %mul3A : i32
      %dma_start3A = tpu.memref_slice %arg3[%mul3A_2] : memref<262144xf32, #tpu.memory_space<hbm>> -> memref<16384xf32, #tpu.memory_space<hbm>>
      %dma_start3A_3 = tpu.memref_slice %arg3[%mul3A_2] : memref<262144xf32, #tpu.memory_space<hbm>> -> memref<16384xf32, #tpu.memory_space<hbm>>
      tpu.enqueue_dma source(%dma_start3A_3 : memref<16384xf32, #tpu.memory_space<hbm>>) target(%arg8 : memref<16384xf32, #tpu.memory_space<vmem>>) target_semaphore(%arg13 : memref<!tpu.dma_semaphore, #tpu.memory_space<semaphore_mem>>)
      %dma_start3A_4 = tpu.memref_slice %arg2[%mul3A_2] : memref<262144xf32, #tpu.memory_space<hbm>> -> memref<16384xf32, #tpu.memory_space<hbm>>
      %dma_start3A_5 = tpu.memref_slice %arg2[%mul3A_2] : memref<262144xf32, #tpu.memory_space<hbm>> -> memref<16384xf32, #tpu.memory_space<hbm>>
      tpu.enqueue_dma source(%dma_start3A_5 : memref<16384xf32, #tpu.memory_space<hbm>>) target(%arg9 : memref<16384xf32, #tpu.memory_space<vmem>>) target_semaphore(%arg13 : memref<!tpu.dma_semaphore, #tpu.memory_space<semaphore_mem>>)
      %mul3A_6 = arith.constant 2048 : i32
      %mul3A_7 = arith.muli %arg1, %mul3A_6 : i32
      %dma_start3A_8 = tpu.memref_slice %arg4[%mul3A_7] : memref<32768xf32, #tpu.memory_space<hbm>> -> memref<2048xf32, #tpu.memory_space<hbm>>
      %dma_start3A_9 = tpu.memref_slice %arg4[%mul3A_7] : memref<32768xf32, #tpu.memory_space<hbm>> -> memref<2048xf32, #tpu.memory_space<hbm>>
      tpu.enqueue_dma source(%dma_start3A_9 : memref<2048xf32, #tpu.memory_space<hbm>>) target(%arg10 : memref<2048xf32, #tpu.memory_space<vmem>>) target_semaphore(%arg13 : memref<!tpu.dma_semaphore, #tpu.memory_space<semaphore_mem>>)
      tpu.enqueue_dma source(%arg5 : memref<128xi32, #tpu.memory_space<hbm>>) target(%arg11 : memref<128xi32, #tpu.memory_space<vmem>>) target_semaphore(%arg13 : memref<!tpu.dma_semaphore, #tpu.memory_space<semaphore_mem>>)
      tpu.enqueue_dma source(%arg6 : memref<128xi32, #tpu.memory_space<hbm>>) target(%arg12 : memref<128xi32, #tpu.memory_space<vmem>>) target_semaphore(%arg13 : memref<!tpu.dma_semaphore, #tpu.memory_space<semaphore_mem>>)
      %dma_wait3A = tpu.memref_slice %arg3[%mul3A_2] : memref<262144xf32, #tpu.memory_space<hbm>> -> memref<16384xf32, #tpu.memory_space<hbm>>
      %dma_wait3A_10 = tpu.memref_slice %arg3[%mul3A_2] : memref<262144xf32, #tpu.memory_space<hbm>> -> memref<16384xf32, #tpu.memory_space<hbm>>
      tpu.wait_dma2 semaphore(%arg13 : memref<!tpu.dma_semaphore, #tpu.memory_space<semaphore_mem>>) src(%dma_wait3A_10 : memref<16384xf32, #tpu.memory_space<hbm>>) dst(%arg8 : memref<16384xf32, #tpu.memory_space<vmem>>)
      %dma_wait3A_11 = tpu.memref_slice %arg2[%mul3A_2] : memref<262144xf32, #tpu.memory_space<hbm>> -> memref<16384xf32, #tpu.memory_space<hbm>>
      %dma_wait3A_12 = tpu.memref_slice %arg2[%mul3A_2] : memref<262144xf32, #tpu.memory_space<hbm>> -> memref<16384xf32, #tpu.memory_space<hbm>>
      tpu.wait_dma2 semaphore(%arg13 : memref<!tpu.dma_semaphore, #tpu.memory_space<semaphore_mem>>) src(%dma_wait3A_12 : memref<16384xf32, #tpu.memory_space<hbm>>) dst(%arg9 : memref<16384xf32, #tpu.memory_space<vmem>>)
      %dma_wait3A_13 = tpu.memref_slice %arg4[%mul3A_7] : memref<32768xf32, #tpu.memory_space<hbm>> -> memref<2048xf32, #tpu.memory_space<hbm>>
      %dma_wait3A_14 = tpu.memref_slice %arg4[%mul3A_7] : memref<32768xf32, #tpu.memory_space<hbm>> -> memref<2048xf32, #tpu.memory_space<hbm>>
      tpu.wait_dma2 semaphore(%arg13 : memref<!tpu.dma_semaphore, #tpu.memory_space<semaphore_mem>>) src(%dma_wait3A_14 : memref<2048xf32, #tpu.memory_space<hbm>>) dst(%arg10 : memref<2048xf32, #tpu.memory_space<vmem>>)
      tpu.wait_dma2 semaphore(%arg13 : memref<!tpu.dma_semaphore, #tpu.memory_space<semaphore_mem>>) src(%arg5 : memref<128xi32, #tpu.memory_space<hbm>>) dst(%arg11 : memref<128xi32, #tpu.memory_space<vmem>>)
      tpu.wait_dma2 semaphore(%arg13 : memref<!tpu.dma_semaphore, #tpu.memory_space<semaphore_mem>>) src(%arg6 : memref<128xi32, #tpu.memory_space<hbm>>) dst(%arg12 : memref<128xi32, #tpu.memory_space<vmem>>)
      %iota3A = tpu.iota {dimensions = array<i32: 0>} : vector<16xi32>
      %scan3A = arith.constant 0 : i32
      %scan3A_15 = arith.constant 0 : i32
      %scan3A_16 = arith.constant 64 : i32
      %scan3A_17 = arith.addi %scan3A_15, %scan3A_16 : i32
      %scan3A_18 = arith.constant 1 : i32
      scf.for %scan3A_20 = %scan3A_15 to %scan3A_17 step %scan3A_18  : i32 {
        %mul3A_21 = arith.constant 2 : i32
        %mul3A_22 = arith.muli %scan3A_20, %mul3A_21 : i32
        %add3A = arith.constant 0 : i32
        %add3A_23 = arith.addi %mul3A_22, %add3A : i32
        %broadcast_in_dim3A = vector.broadcast %add3A_23 : i32 to vector<16xi32>
        %gather3A = tpu.vector_load_idx %arg11[%broadcast_in_dim3A] : memref<128xi32, #tpu.memory_space<vmem>>[vector<16xi32>], vector<16xi32>,
        %gather3A_24 = tpu.vector_load_idx %arg12[%broadcast_in_dim3A] : memref<128xi32, #tpu.memory_space<vmem>>[vector<16xi32>], vector<16xi32>,
        %mul3A_25 = arith.constant 128 : i32
        %mul3A_26 = vector.broadcast %mul3A_25 : i32 to vector<16xi32>
        %mul3A_27 = arith.muli %iota3A, %mul3A_26 : vector<16xi32>
        %add3A_28 = arith.addi %mul3A_27, %broadcast_in_dim3A : vector<16xi32>
        %gather3A_29 = tpu.vector_load_idx %arg10[%add3A_28] : memref<2048xf32, #tpu.memory_space<vmem>>[vector<16xi32>], vector<16xf32>,
        %mul3A_30 = arith.constant 1024 : i32
        %mul3A_31 = vector.broadcast %mul3A_30 : i32 to vector<16xi32>
        %mul3A_32 = arith.muli %iota3A, %mul3A_31 : vector<16xi32>
        %add3A_33 = arith.addi %mul3A_32, %gather3A : vector<16xi32>
        %gather3A_34 = tpu.vector_load_idx %arg9[%add3A_33] : memref<16384xf32, #tpu.memory_space<vmem>>[vector<16xi32>], vector<16xf32>,
        %mul3A_35 = arith.constant 1024 : i32
        %mul3A_36 = vector.broadcast %mul3A_35 : i32 to vector<16xi32>
        %mul3A_37 = arith.muli %iota3A, %mul3A_36 : vector<16xi32>
        %add3A_38 = arith.addi %mul3A_37, %gather3A_24 : vector<16xi32>
        %mul3A_39 = arith.mulf %gather3A_34, %gather3A_29 : vector<16xf32>
        tpu.vector_store_idx %arg8[%add3A_38], %mul3A_39 {add = true} : memref<16384xf32, #tpu.memory_space<vmem>>[vector<16xi32>], vector<16xf32>,
        %mul3A_40 = arith.constant 2 : i32
        %mul3A_41 = arith.muli %scan3A_20, %mul3A_40 : i32
        %add3A_42 = arith.constant 1 : i32
        %add3A_43 = arith.addi %mul3A_41, %add3A_42 : i32
        %broadcast_in_dim3A_44 = vector.broadcast %add3A_43 : i32 to vector<16xi32>
        %gather3A_45 = tpu.vector_load_idx %arg11[%broadcast_in_dim3A_44] : memref<128xi32, #tpu.memory_space<vmem>>[vector<16xi32>], vector<16xi32>,
        %gather3A_46 = tpu.vector_load_idx %arg12[%broadcast_in_dim3A_44] : memref<128xi32, #tpu.memory_space<vmem>>[vector<16xi32>], vector<16xi32>,
        %mul3A_47 = arith.constant 128 : i32
        %mul3A_48 = vector.broadcast %mul3A_47 : i32 to vector<16xi32>
        %mul3A_49 = arith.muli %iota3A, %mul3A_48 : vector<16xi32>
        %add3A_50 = arith.addi %mul3A_49, %broadcast_in_dim3A_44 : vector<16xi32>
        %gather3A_51 = tpu.vector_load_idx %arg10[%add3A_50] : memref<2048xf32, #tpu.memory_space<vmem>>[vector<16xi32>], vector<16xf32>,
        %mul3A_52 = arith.constant 1024 : i32
        %mul3A_53 = vector.broadcast %mul3A_52 : i32 to vector<16xi32>
        %mul3A_54 = arith.muli %iota3A, %mul3A_53 : vector<16xi32>
        %add3A_55 = arith.addi %mul3A_54, %gather3A_45 : vector<16xi32>
        %gather3A_56 = tpu.vector_load_idx %arg9[%add3A_55] : memref<16384xf32, #tpu.memory_space<vmem>>[vector<16xi32>], vector<16xf32>,
        %mul3A_57 = arith.constant 1024 : i32
        %mul3A_58 = vector.broadcast %mul3A_57 : i32 to vector<16xi32>
        %mul3A_59 = arith.muli %iota3A, %mul3A_58 : vector<16xi32>
        %add3A_60 = arith.addi %mul3A_59, %gather3A_46 : vector<16xi32>
        %mul3A_61 = arith.mulf %gather3A_56, %gather3A_51 : vector<16xf32>
        tpu.vector_store_idx %arg8[%add3A_60], %mul3A_61 {add = true} : memref<16384xf32, #tpu.memory_space<vmem>>[vector<16xi32>], vector<16xf32>,
      }
      %scan3A_19 = arith.constant 64 : i32
      "tpu.region"() ({
        %run_scoped3A = tpu.sem_alloc : memref<!tpu.dma_semaphore, #tpu.memory_space<semaphore_mem>>
        %dma_start3A_20 = tpu.memref_slice %arg7[%mul3A_2] : memref<262144xf32, #tpu.memory_space<hbm>> -> memref<16384xf32, #tpu.memory_space<hbm>>
        %dma_start3A_21 = tpu.memref_slice %arg7[%mul3A_2] : memref<262144xf32, #tpu.memory_space<hbm>> -> memref<16384xf32, #tpu.memory_space<hbm>>
        tpu.enqueue_dma source(%arg8 : memref<16384xf32, #tpu.memory_space<vmem>>) target(%dma_start3A_21 : memref<16384xf32, #tpu.memory_space<hbm>>) target_semaphore(%run_scoped3A : memref<!tpu.dma_semaphore, #tpu.memory_space<semaphore_mem>>)
        %dma_wait3A_22 = tpu.memref_slice %arg7[%mul3A_2] : memref<262144xf32, #tpu.memory_space<hbm>> -> memref<16384xf32, #tpu.memory_space<hbm>>
        %dma_wait3A_23 = tpu.memref_slice %arg7[%mul3A_2] : memref<262144xf32, #tpu.memory_space<hbm>> -> memref<16384xf32, #tpu.memory_space<hbm>>
        tpu.wait_dma2 semaphore(%run_scoped3A : memref<!tpu.dma_semaphore, #tpu.memory_space<semaphore_mem>>) src(%arg8 : memref<16384xf32, #tpu.memory_space<vmem>>) dst(%dma_wait3A_23 : memref<16384xf32, #tpu.memory_space<hbm>>)
        tpu.yield
      }) : () -> ()
    } else {
    }
    return
  }
}

#map = affine_map<(d0, d1) -> (0)>
module attributes {stable_mosaic.version = 14 : i64} {
  func.func @_sc_layer_body(%arg0: i32, %arg1: i32, %arg2: memref<262144xf32, #tpu.memory_space<hbm>>, %arg3: memref<262144xf32, #tpu.memory_space<hbm>>, %arg4: memref<32768xf32, #tpu.memory_space<hbm>>, %arg5: memref<128xi32, #tpu.memory_space<hbm>>, %arg6: memref<128xi32, #tpu.memory_space<hbm>>, %arg7: memref<262144xf32, #tpu.memory_space<hbm>>, %arg8: memref<16384xf32, #tpu.memory_space<vmem>>, %arg9: memref<16384xf32, #tpu.memory_space<vmem>>, %arg10: memref<2048xf32, #tpu.memory_space<vmem>>, %arg11: memref<128xi32, #tpu.memory_space<vmem>>, %arg12: memref<128xi32, #tpu.memory_space<vmem>>, %arg13: memref<!tpu.dma_semaphore, #tpu.memory_space<semaphore_mem>>) attributes {dimension_semantics = [#tpu.dimension_semantics<core_parallel>, #tpu.dimension_semantics<subcore_parallel>], iteration_bounds = array<i64: 2, 16>, scalar_prefetch = 0 : i64, scratch_operands = 6 : i64, tpu.core_type = #tpu.core_type<sc_vector_subcore>, window_params = [{transform_indices = #map}, {transform_indices = #map}, {transform_indices = #map}, {transform_indices = #map}, {transform_indices = #map}, {transform_indices = #map}]} {
    %eq3A = arith.constant 0 : i32
    %eq3A_0 = arith.cmpi eq, %arg0, %eq3A : i32
    %convert_element_type3A = arith.extui %eq3A_0 : i1 to i32
    %cond3A = arith.constant 0 : i32
    %cond3A_1 = arith.cmpi ne, %convert_element_type3A, %cond3A : i32
    scf.if %cond3A_1 {
      %mul3A = arith.constant 16384 : i32
      %mul3A_2 = arith.muli %arg1, %mul3A : i32
      %dma_start3A = tpu.memref_slice %arg3[%mul3A_2] : memref<262144xf32, #tpu.memory_space<hbm>> -> memref<16384xf32, #tpu.memory_space<hbm>>
      %dma_start3A_3 = tpu.memref_slice %arg3[%mul3A_2] : memref<262144xf32, #tpu.memory_space<hbm>> -> memref<16384xf32, #tpu.memory_space<hbm>>
      tpu.enqueue_dma source(%dma_start3A_3 : memref<16384xf32, #tpu.memory_space<hbm>>) target(%arg8 : memref<16384xf32, #tpu.memory_space<vmem>>) target_semaphore(%arg13 : memref<!tpu.dma_semaphore, #tpu.memory_space<semaphore_mem>>)
      %dma_start3A_4 = tpu.memref_slice %arg2[%mul3A_2] : memref<262144xf32, #tpu.memory_space<hbm>> -> memref<16384xf32, #tpu.memory_space<hbm>>
      %dma_start3A_5 = tpu.memref_slice %arg2[%mul3A_2] : memref<262144xf32, #tpu.memory_space<hbm>> -> memref<16384xf32, #tpu.memory_space<hbm>>
      tpu.enqueue_dma source(%dma_start3A_5 : memref<16384xf32, #tpu.memory_space<hbm>>) target(%arg9 : memref<16384xf32, #tpu.memory_space<vmem>>) target_semaphore(%arg13 : memref<!tpu.dma_semaphore, #tpu.memory_space<semaphore_mem>>)
      %mul3A_6 = arith.constant 2048 : i32
      %mul3A_7 = arith.muli %arg1, %mul3A_6 : i32
      %dma_start3A_8 = tpu.memref_slice %arg4[%mul3A_7] : memref<32768xf32, #tpu.memory_space<hbm>> -> memref<2048xf32, #tpu.memory_space<hbm>>
      %dma_start3A_9 = tpu.memref_slice %arg4[%mul3A_7] : memref<32768xf32, #tpu.memory_space<hbm>> -> memref<2048xf32, #tpu.memory_space<hbm>>
      tpu.enqueue_dma source(%dma_start3A_9 : memref<2048xf32, #tpu.memory_space<hbm>>) target(%arg10 : memref<2048xf32, #tpu.memory_space<vmem>>) target_semaphore(%arg13 : memref<!tpu.dma_semaphore, #tpu.memory_space<semaphore_mem>>)
      tpu.enqueue_dma source(%arg5 : memref<128xi32, #tpu.memory_space<hbm>>) target(%arg11 : memref<128xi32, #tpu.memory_space<vmem>>) target_semaphore(%arg13 : memref<!tpu.dma_semaphore, #tpu.memory_space<semaphore_mem>>)
      tpu.enqueue_dma source(%arg6 : memref<128xi32, #tpu.memory_space<hbm>>) target(%arg12 : memref<128xi32, #tpu.memory_space<vmem>>) target_semaphore(%arg13 : memref<!tpu.dma_semaphore, #tpu.memory_space<semaphore_mem>>)
      %dma_wait3A = tpu.memref_slice %arg3[%mul3A_2] : memref<262144xf32, #tpu.memory_space<hbm>> -> memref<16384xf32, #tpu.memory_space<hbm>>
      %dma_wait3A_10 = tpu.memref_slice %arg3[%mul3A_2] : memref<262144xf32, #tpu.memory_space<hbm>> -> memref<16384xf32, #tpu.memory_space<hbm>>
      tpu.wait_dma2 semaphore(%arg13 : memref<!tpu.dma_semaphore, #tpu.memory_space<semaphore_mem>>) src(%dma_wait3A_10 : memref<16384xf32, #tpu.memory_space<hbm>>) dst(%arg8 : memref<16384xf32, #tpu.memory_space<vmem>>)
      %dma_wait3A_11 = tpu.memref_slice %arg2[%mul3A_2] : memref<262144xf32, #tpu.memory_space<hbm>> -> memref<16384xf32, #tpu.memory_space<hbm>>
      %dma_wait3A_12 = tpu.memref_slice %arg2[%mul3A_2] : memref<262144xf32, #tpu.memory_space<hbm>> -> memref<16384xf32, #tpu.memory_space<hbm>>
      tpu.wait_dma2 semaphore(%arg13 : memref<!tpu.dma_semaphore, #tpu.memory_space<semaphore_mem>>) src(%dma_wait3A_12 : memref<16384xf32, #tpu.memory_space<hbm>>) dst(%arg9 : memref<16384xf32, #tpu.memory_space<vmem>>)
      %dma_wait3A_13 = tpu.memref_slice %arg4[%mul3A_7] : memref<32768xf32, #tpu.memory_space<hbm>> -> memref<2048xf32, #tpu.memory_space<hbm>>
      %dma_wait3A_14 = tpu.memref_slice %arg4[%mul3A_7] : memref<32768xf32, #tpu.memory_space<hbm>> -> memref<2048xf32, #tpu.memory_space<hbm>>
      tpu.wait_dma2 semaphore(%arg13 : memref<!tpu.dma_semaphore, #tpu.memory_space<semaphore_mem>>) src(%dma_wait3A_14 : memref<2048xf32, #tpu.memory_space<hbm>>) dst(%arg10 : memref<2048xf32, #tpu.memory_space<vmem>>)
      tpu.wait_dma2 semaphore(%arg13 : memref<!tpu.dma_semaphore, #tpu.memory_space<semaphore_mem>>) src(%arg5 : memref<128xi32, #tpu.memory_space<hbm>>) dst(%arg11 : memref<128xi32, #tpu.memory_space<vmem>>)
      tpu.wait_dma2 semaphore(%arg13 : memref<!tpu.dma_semaphore, #tpu.memory_space<semaphore_mem>>) src(%arg6 : memref<128xi32, #tpu.memory_space<hbm>>) dst(%arg12 : memref<128xi32, #tpu.memory_space<vmem>>)
      %iota3A = tpu.iota {dimensions = array<i32: 0>} : vector<16xi32>
      %scan3A = arith.constant 0 : i32
      %scan3A_15 = arith.constant 0 : i32
      %scan3A_16 = arith.constant 64 : i32
      %scan3A_17 = arith.addi %scan3A_15, %scan3A_16 : i32
      %scan3A_18 = arith.constant 1 : i32
      scf.for %scan3A_20 = %scan3A_15 to %scan3A_17 step %scan3A_18  : i32 {
        %mul3A_21 = arith.constant 2 : i32
        %mul3A_22 = arith.muli %scan3A_20, %mul3A_21 : i32
        %add3A = arith.constant 0 : i32
        %add3A_23 = arith.addi %mul3A_22, %add3A : i32
        %broadcast_in_dim3A = vector.broadcast %add3A_23 : i32 to vector<16xi32>
        %gather3A = tpu.vector_load_idx %arg11[%broadcast_in_dim3A] : memref<128xi32, #tpu.memory_space<vmem>>[vector<16xi32>], vector<16xi32>,
        %gather3A_24 = tpu.vector_load_idx %arg12[%broadcast_in_dim3A] : memref<128xi32, #tpu.memory_space<vmem>>[vector<16xi32>], vector<16xi32>,
        %mul3A_25 = arith.constant 128 : i32
        %mul3A_26 = vector.broadcast %mul3A_25 : i32 to vector<16xi32>
        %mul3A_27 = arith.muli %iota3A, %mul3A_26 : vector<16xi32>
        %add3A_28 = arith.addi %mul3A_27, %broadcast_in_dim3A : vector<16xi32>
        %gather3A_29 = tpu.vector_load_idx %arg10[%add3A_28] : memref<2048xf32, #tpu.memory_space<vmem>>[vector<16xi32>], vector<16xf32>,
        %mul3A_30 = arith.constant 1024 : i32
        %mul3A_31 = vector.broadcast %mul3A_30 : i32 to vector<16xi32>
        %mul3A_32 = arith.muli %iota3A, %mul3A_31 : vector<16xi32>
        %add3A_33 = arith.addi %mul3A_32, %gather3A : vector<16xi32>
        %gather3A_34 = tpu.vector_load_idx %arg9[%add3A_33] : memref<16384xf32, #tpu.memory_space<vmem>>[vector<16xi32>], vector<16xf32>,
        %mul3A_35 = arith.constant 1024 : i32
        %mul3A_36 = vector.broadcast %mul3A_35 : i32 to vector<16xi32>
        %mul3A_37 = arith.muli %iota3A, %mul3A_36 : vector<16xi32>
        %add3A_38 = arith.addi %mul3A_37, %gather3A_24 : vector<16xi32>
        %mul3A_39 = arith.mulf %gather3A_34, %gather3A_29 : vector<16xf32>
        tpu.vector_store_idx %arg8[%add3A_38], %mul3A_39 {add = true} : memref<16384xf32, #tpu.memory_space<vmem>>[vector<16xi32>], vector<16xf32>,
        %mul3A_40 = arith.constant 2 : i32
        %mul3A_41 = arith.muli %scan3A_20, %mul3A_40 : i32
        %add3A_42 = arith.constant 1 : i32
        %add3A_43 = arith.addi %mul3A_41, %add3A_42 : i32
        %broadcast_in_dim3A_44 = vector.broadcast %add3A_43 : i32 to vector<16xi32>
        %gather3A_45 = tpu.vector_load_idx %arg11[%broadcast_in_dim3A_44] : memref<128xi32, #tpu.memory_space<vmem>>[vector<16xi32>], vector<16xi32>,
        %gather3A_46 = tpu.vector_load_idx %arg12[%broadcast_in_dim3A_44] : memref<128xi32, #tpu.memory_space<vmem>>[vector<16xi32>], vector<16xi32>,
        %mul3A_47 = arith.constant 128 : i32
        %mul3A_48 = vector.broadcast %mul3A_47 : i32 to vector<16xi32>
        %mul3A_49 = arith.muli %iota3A, %mul3A_48 : vector<16xi32>
        %add3A_50 = arith.addi %mul3A_49, %broadcast_in_dim3A_44 : vector<16xi32>
        %gather3A_51 = tpu.vector_load_idx %arg10[%add3A_50] : memref<2048xf32, #tpu.memory_space<vmem>>[vector<16xi32>], vector<16xf32>,
        %mul3A_52 = arith.constant 1024 : i32
        %mul3A_53 = vector.broadcast %mul3A_52 : i32 to vector<16xi32>
        %mul3A_54 = arith.muli %iota3A, %mul3A_53 : vector<16xi32>
        %add3A_55 = arith.addi %mul3A_54, %gather3A_45 : vector<16xi32>
        %gather3A_56 = tpu.vector_load_idx %arg9[%add3A_55] : memref<16384xf32, #tpu.memory_space<vmem>>[vector<16xi32>], vector<16xf32>,
        %mul3A_57 = arith.constant 1024 : i32
        %mul3A_58 = vector.broadcast %mul3A_57 : i32 to vector<16xi32>
        %mul3A_59 = arith.muli %iota3A, %mul3A_58 : vector<16xi32>
        %add3A_60 = arith.addi %mul3A_59, %gather3A_46 : vector<16xi32>
        %mul3A_61 = arith.mulf %gather3A_56, %gather3A_51 : vector<16xf32>
        tpu.vector_store_idx %arg8[%add3A_60], %mul3A_61 {add = true} : memref<16384xf32, #tpu.memory_space<vmem>>[vector<16xi32>], vector<16xf32>,
      }
      %scan3A_19 = arith.constant 64 : i32
      "tpu.region"() ({
        %run_scoped3A = tpu.sem_alloc : memref<!tpu.dma_semaphore, #tpu.memory_space<semaphore_mem>>
        %dma_start3A_20 = tpu.memref_slice %arg7[%mul3A_2] : memref<262144xf32, #tpu.memory_space<hbm>> -> memref<16384xf32, #tpu.memory_space<hbm>>
        %dma_start3A_21 = tpu.memref_slice %arg7[%mul3A_2] : memref<262144xf32, #tpu.memory_space<hbm>> -> memref<16384xf32, #tpu.memory_space<hbm>>
        tpu.enqueue_dma source(%arg8 : memref<16384xf32, #tpu.memory_space<vmem>>) target(%dma_start3A_21 : memref<16384xf32, #tpu.memory_space<hbm>>) target_semaphore(%run_scoped3A : memref<!tpu.dma_semaphore, #tpu.memory_space<semaphore_mem>>)
        %dma_wait3A_22 = tpu.memref_slice %arg7[%mul3A_2] : memref<262144xf32, #tpu.memory_space<hbm>> -> memref<16384xf32, #tpu.memory_space<hbm>>
        %dma_wait3A_23 = tpu.memref_slice %arg7[%mul3A_2] : memref<262144xf32, #tpu.memory_space<hbm>> -> memref<16384xf32, #tpu.memory_space<hbm>>
        tpu.wait_dma2 semaphore(%run_scoped3A : memref<!tpu.dma_semaphore, #tpu.memory_space<semaphore_mem>>) src(%arg8 : memref<16384xf32, #tpu.memory_space<vmem>>) dst(%dma_wait3A_23 : memref<16384xf32, #tpu.memory_space<hbm>>)
        tpu.yield
      }) : () -> ()
    } else {
    }
    return
  }
}

#map = affine_map<(d0, d1) -> (0)>
module attributes {stable_mosaic.version = 14 : i64} {
  func.func @_sc_layer_body(%arg0: i32, %arg1: i32, %arg2: memref<262144xf32, #tpu.memory_space<hbm>>, %arg3: memref<262144xf32, #tpu.memory_space<hbm>>, %arg4: memref<32768xf32, #tpu.memory_space<hbm>>, %arg5: memref<128xi32, #tpu.memory_space<hbm>>, %arg6: memref<128xi32, #tpu.memory_space<hbm>>, %arg7: memref<262144xf32, #tpu.memory_space<hbm>>, %arg8: memref<16384xf32, #tpu.memory_space<vmem>>, %arg9: memref<16384xf32, #tpu.memory_space<vmem>>, %arg10: memref<2048xf32, #tpu.memory_space<vmem>>, %arg11: memref<128xi32, #tpu.memory_space<vmem>>, %arg12: memref<128xi32, #tpu.memory_space<vmem>>, %arg13: memref<!tpu.dma_semaphore, #tpu.memory_space<semaphore_mem>>) attributes {dimension_semantics = [#tpu.dimension_semantics<core_parallel>, #tpu.dimension_semantics<subcore_parallel>], iteration_bounds = array<i64: 2, 16>, scalar_prefetch = 0 : i64, scratch_operands = 6 : i64, tpu.core_type = #tpu.core_type<sc_vector_subcore>, window_params = [{transform_indices = #map}, {transform_indices = #map}, {transform_indices = #map}, {transform_indices = #map}, {transform_indices = #map}, {transform_indices = #map}]} {
    %eq3A = arith.constant 0 : i32
    %eq3A_0 = arith.cmpi eq, %arg0, %eq3A : i32
    %convert_element_type3A = arith.extui %eq3A_0 : i1 to i32
    %cond3A = arith.constant 0 : i32
    %cond3A_1 = arith.cmpi ne, %convert_element_type3A, %cond3A : i32
    scf.if %cond3A_1 {
      %mul3A = arith.constant 16384 : i32
      %mul3A_2 = arith.muli %arg1, %mul3A : i32
      %dma_start3A = tpu.memref_slice %arg3[%mul3A_2] : memref<262144xf32, #tpu.memory_space<hbm>> -> memref<16384xf32, #tpu.memory_space<hbm>>
      %dma_start3A_3 = tpu.memref_slice %arg3[%mul3A_2] : memref<262144xf32, #tpu.memory_space<hbm>> -> memref<16384xf32, #tpu.memory_space<hbm>>
      tpu.enqueue_dma source(%dma_start3A_3 : memref<16384xf32, #tpu.memory_space<hbm>>) target(%arg8 : memref<16384xf32, #tpu.memory_space<vmem>>) target_semaphore(%arg13 : memref<!tpu.dma_semaphore, #tpu.memory_space<semaphore_mem>>)
      %dma_start3A_4 = tpu.memref_slice %arg2[%mul3A_2] : memref<262144xf32, #tpu.memory_space<hbm>> -> memref<16384xf32, #tpu.memory_space<hbm>>
      %dma_start3A_5 = tpu.memref_slice %arg2[%mul3A_2] : memref<262144xf32, #tpu.memory_space<hbm>> -> memref<16384xf32, #tpu.memory_space<hbm>>
      tpu.enqueue_dma source(%dma_start3A_5 : memref<16384xf32, #tpu.memory_space<hbm>>) target(%arg9 : memref<16384xf32, #tpu.memory_space<vmem>>) target_semaphore(%arg13 : memref<!tpu.dma_semaphore, #tpu.memory_space<semaphore_mem>>)
      %mul3A_6 = arith.constant 2048 : i32
      %mul3A_7 = arith.muli %arg1, %mul3A_6 : i32
      %dma_start3A_8 = tpu.memref_slice %arg4[%mul3A_7] : memref<32768xf32, #tpu.memory_space<hbm>> -> memref<2048xf32, #tpu.memory_space<hbm>>
      %dma_start3A_9 = tpu.memref_slice %arg4[%mul3A_7] : memref<32768xf32, #tpu.memory_space<hbm>> -> memref<2048xf32, #tpu.memory_space<hbm>>
      tpu.enqueue_dma source(%dma_start3A_9 : memref<2048xf32, #tpu.memory_space<hbm>>) target(%arg10 : memref<2048xf32, #tpu.memory_space<vmem>>) target_semaphore(%arg13 : memref<!tpu.dma_semaphore, #tpu.memory_space<semaphore_mem>>)
      tpu.enqueue_dma source(%arg5 : memref<128xi32, #tpu.memory_space<hbm>>) target(%arg11 : memref<128xi32, #tpu.memory_space<vmem>>) target_semaphore(%arg13 : memref<!tpu.dma_semaphore, #tpu.memory_space<semaphore_mem>>)
      tpu.enqueue_dma source(%arg6 : memref<128xi32, #tpu.memory_space<hbm>>) target(%arg12 : memref<128xi32, #tpu.memory_space<vmem>>) target_semaphore(%arg13 : memref<!tpu.dma_semaphore, #tpu.memory_space<semaphore_mem>>)
      %dma_wait3A = tpu.memref_slice %arg3[%mul3A_2] : memref<262144xf32, #tpu.memory_space<hbm>> -> memref<16384xf32, #tpu.memory_space<hbm>>
      %dma_wait3A_10 = tpu.memref_slice %arg3[%mul3A_2] : memref<262144xf32, #tpu.memory_space<hbm>> -> memref<16384xf32, #tpu.memory_space<hbm>>
      tpu.wait_dma2 semaphore(%arg13 : memref<!tpu.dma_semaphore, #tpu.memory_space<semaphore_mem>>) src(%dma_wait3A_10 : memref<16384xf32, #tpu.memory_space<hbm>>) dst(%arg8 : memref<16384xf32, #tpu.memory_space<vmem>>)
      %dma_wait3A_11 = tpu.memref_slice %arg2[%mul3A_2] : memref<262144xf32, #tpu.memory_space<hbm>> -> memref<16384xf32, #tpu.memory_space<hbm>>
      %dma_wait3A_12 = tpu.memref_slice %arg2[%mul3A_2] : memref<262144xf32, #tpu.memory_space<hbm>> -> memref<16384xf32, #tpu.memory_space<hbm>>
      tpu.wait_dma2 semaphore(%arg13 : memref<!tpu.dma_semaphore, #tpu.memory_space<semaphore_mem>>) src(%dma_wait3A_12 : memref<16384xf32, #tpu.memory_space<hbm>>) dst(%arg9 : memref<16384xf32, #tpu.memory_space<vmem>>)
      %dma_wait3A_13 = tpu.memref_slice %arg4[%mul3A_7] : memref<32768xf32, #tpu.memory_space<hbm>> -> memref<2048xf32, #tpu.memory_space<hbm>>
      %dma_wait3A_14 = tpu.memref_slice %arg4[%mul3A_7] : memref<32768xf32, #tpu.memory_space<hbm>> -> memref<2048xf32, #tpu.memory_space<hbm>>
      tpu.wait_dma2 semaphore(%arg13 : memref<!tpu.dma_semaphore, #tpu.memory_space<semaphore_mem>>) src(%dma_wait3A_14 : memref<2048xf32, #tpu.memory_space<hbm>>) dst(%arg10 : memref<2048xf32, #tpu.memory_space<vmem>>)
      tpu.wait_dma2 semaphore(%arg13 : memref<!tpu.dma_semaphore, #tpu.memory_space<semaphore_mem>>) src(%arg5 : memref<128xi32, #tpu.memory_space<hbm>>) dst(%arg11 : memref<128xi32, #tpu.memory_space<vmem>>)
      tpu.wait_dma2 semaphore(%arg13 : memref<!tpu.dma_semaphore, #tpu.memory_space<semaphore_mem>>) src(%arg6 : memref<128xi32, #tpu.memory_space<hbm>>) dst(%arg12 : memref<128xi32, #tpu.memory_space<vmem>>)
      %iota3A = tpu.iota {dimensions = array<i32: 0>} : vector<16xi32>
      %scan3A = arith.constant 0 : i32
      %scan3A_15 = arith.constant 0 : i32
      %scan3A_16 = arith.constant 64 : i32
      %scan3A_17 = arith.addi %scan3A_15, %scan3A_16 : i32
      %scan3A_18 = arith.constant 1 : i32
      scf.for %scan3A_20 = %scan3A_15 to %scan3A_17 step %scan3A_18  : i32 {
        %mul3A_21 = arith.constant 2 : i32
        %mul3A_22 = arith.muli %scan3A_20, %mul3A_21 : i32
        %add3A = arith.constant 0 : i32
        %add3A_23 = arith.addi %mul3A_22, %add3A : i32
        %broadcast_in_dim3A = vector.broadcast %add3A_23 : i32 to vector<16xi32>
        %gather3A = tpu.vector_load_idx %arg11[%broadcast_in_dim3A] : memref<128xi32, #tpu.memory_space<vmem>>[vector<16xi32>], vector<16xi32>,
        %gather3A_24 = tpu.vector_load_idx %arg12[%broadcast_in_dim3A] : memref<128xi32, #tpu.memory_space<vmem>>[vector<16xi32>], vector<16xi32>,
        %mul3A_25 = arith.constant 128 : i32
        %mul3A_26 = vector.broadcast %mul3A_25 : i32 to vector<16xi32>
        %mul3A_27 = arith.muli %iota3A, %mul3A_26 : vector<16xi32>
        %add3A_28 = arith.addi %mul3A_27, %broadcast_in_dim3A : vector<16xi32>
        %gather3A_29 = tpu.vector_load_idx %arg10[%add3A_28] : memref<2048xf32, #tpu.memory_space<vmem>>[vector<16xi32>], vector<16xf32>,
        %mul3A_30 = arith.constant 1024 : i32
        %mul3A_31 = vector.broadcast %mul3A_30 : i32 to vector<16xi32>
        %mul3A_32 = arith.muli %iota3A, %mul3A_31 : vector<16xi32>
        %add3A_33 = arith.addi %mul3A_32, %gather3A : vector<16xi32>
        %gather3A_34 = tpu.vector_load_idx %arg9[%add3A_33] : memref<16384xf32, #tpu.memory_space<vmem>>[vector<16xi32>], vector<16xf32>,
        %mul3A_35 = arith.constant 1024 : i32
        %mul3A_36 = vector.broadcast %mul3A_35 : i32 to vector<16xi32>
        %mul3A_37 = arith.muli %iota3A, %mul3A_36 : vector<16xi32>
        %add3A_38 = arith.addi %mul3A_37, %gather3A_24 : vector<16xi32>
        %mul3A_39 = arith.mulf %gather3A_34, %gather3A_29 : vector<16xf32>
        tpu.vector_store_idx %arg8[%add3A_38], %mul3A_39 {add = true} : memref<16384xf32, #tpu.memory_space<vmem>>[vector<16xi32>], vector<16xf32>,
        %mul3A_40 = arith.constant 2 : i32
        %mul3A_41 = arith.muli %scan3A_20, %mul3A_40 : i32
        %add3A_42 = arith.constant 1 : i32
        %add3A_43 = arith.addi %mul3A_41, %add3A_42 : i32
        %broadcast_in_dim3A_44 = vector.broadcast %add3A_43 : i32 to vector<16xi32>
        %gather3A_45 = tpu.vector_load_idx %arg11[%broadcast_in_dim3A_44] : memref<128xi32, #tpu.memory_space<vmem>>[vector<16xi32>], vector<16xi32>,
        %gather3A_46 = tpu.vector_load_idx %arg12[%broadcast_in_dim3A_44] : memref<128xi32, #tpu.memory_space<vmem>>[vector<16xi32>], vector<16xi32>,
        %mul3A_47 = arith.constant 128 : i32
        %mul3A_48 = vector.broadcast %mul3A_47 : i32 to vector<16xi32>
        %mul3A_49 = arith.muli %iota3A, %mul3A_48 : vector<16xi32>
        %add3A_50 = arith.addi %mul3A_49, %broadcast_in_dim3A_44 : vector<16xi32>
        %gather3A_51 = tpu.vector_load_idx %arg10[%add3A_50] : memref<2048xf32, #tpu.memory_space<vmem>>[vector<16xi32>], vector<16xf32>,
        %mul3A_52 = arith.constant 1024 : i32
        %mul3A_53 = vector.broadcast %mul3A_52 : i32 to vector<16xi32>
        %mul3A_54 = arith.muli %iota3A, %mul3A_53 : vector<16xi32>
        %add3A_55 = arith.addi %mul3A_54, %gather3A_45 : vector<16xi32>
        %gather3A_56 = tpu.vector_load_idx %arg9[%add3A_55] : memref<16384xf32, #tpu.memory_space<vmem>>[vector<16xi32>], vector<16xf32>,
        %mul3A_57 = arith.constant 1024 : i32
        %mul3A_58 = vector.broadcast %mul3A_57 : i32 to vector<16xi32>
        %mul3A_59 = arith.muli %iota3A, %mul3A_58 : vector<16xi32>
        %add3A_60 = arith.addi %mul3A_59, %gather3A_46 : vector<16xi32>
        %mul3A_61 = arith.mulf %gather3A_56, %gather3A_51 : vector<16xf32>
        tpu.vector_store_idx %arg8[%add3A_60], %mul3A_61 {add = true} : memref<16384xf32, #tpu.memory_space<vmem>>[vector<16xi32>], vector<16xf32>,
      }
      %scan3A_19 = arith.constant 64 : i32
      "tpu.region"() ({
        %run_scoped3A = tpu.sem_alloc : memref<!tpu.dma_semaphore, #tpu.memory_space<semaphore_mem>>
        %dma_start3A_20 = tpu.memref_slice %arg7[%mul3A_2] : memref<262144xf32, #tpu.memory_space<hbm>> -> memref<16384xf32, #tpu.memory_space<hbm>>
        %dma_start3A_21 = tpu.memref_slice %arg7[%mul3A_2] : memref<262144xf32, #tpu.memory_space<hbm>> -> memref<16384xf32, #tpu.memory_space<hbm>>
        tpu.enqueue_dma source(%arg8 : memref<16384xf32, #tpu.memory_space<vmem>>) target(%dma_start3A_21 : memref<16384xf32, #tpu.memory_space<hbm>>) target_semaphore(%run_scoped3A : memref<!tpu.dma_semaphore, #tpu.memory_space<semaphore_mem>>)
        %dma_wait3A_22 = tpu.memref_slice %arg7[%mul3A_2] : memref<262144xf32, #tpu.memory_space<hbm>> -> memref<16384xf32, #tpu.memory_space<hbm>>
        %dma_wait3A_23 = tpu.memref_slice %arg7[%mul3A_2] : memref<262144xf32, #tpu.memory_space<hbm>> -> memref<16384xf32, #tpu.memory_space<hbm>>
        tpu.wait_dma2 semaphore(%run_scoped3A : memref<!tpu.dma_semaphore, #tpu.memory_space<semaphore_mem>>) src(%arg8 : memref<16384xf32, #tpu.memory_space<vmem>>) dst(%dma_wait3A_23 : memref<16384xf32, #tpu.memory_space<hbm>>)
        tpu.yield
      }) : () -> ()
    } else {
    }
    return
  }
}

#map = affine_map<(d0, d1) -> (0)>
module attributes {stable_mosaic.version = 14 : i64} {
  func.func @_sc_layer_body(%arg0: i32, %arg1: i32, %arg2: memref<262144xf32, #tpu.memory_space<hbm>>, %arg3: memref<262144xf32, #tpu.memory_space<hbm>>, %arg4: memref<32768xf32, #tpu.memory_space<hbm>>, %arg5: memref<128xi32, #tpu.memory_space<hbm>>, %arg6: memref<128xi32, #tpu.memory_space<hbm>>, %arg7: memref<262144xf32, #tpu.memory_space<hbm>>, %arg8: memref<16384xf32, #tpu.memory_space<vmem>>, %arg9: memref<16384xf32, #tpu.memory_space<vmem>>, %arg10: memref<2048xf32, #tpu.memory_space<vmem>>, %arg11: memref<128xi32, #tpu.memory_space<vmem>>, %arg12: memref<128xi32, #tpu.memory_space<vmem>>, %arg13: memref<!tpu.dma_semaphore, #tpu.memory_space<semaphore_mem>>) attributes {dimension_semantics = [#tpu.dimension_semantics<core_parallel>, #tpu.dimension_semantics<subcore_parallel>], iteration_bounds = array<i64: 2, 16>, scalar_prefetch = 0 : i64, scratch_operands = 6 : i64, tpu.core_type = #tpu.core_type<sc_vector_subcore>, window_params = [{transform_indices = #map}, {transform_indices = #map}, {transform_indices = #map}, {transform_indices = #map}, {transform_indices = #map}, {transform_indices = #map}]} {
    %eq3A = arith.constant 0 : i32
    %eq3A_0 = arith.cmpi eq, %arg0, %eq3A : i32
    %convert_element_type3A = arith.extui %eq3A_0 : i1 to i32
    %cond3A = arith.constant 0 : i32
    %cond3A_1 = arith.cmpi ne, %convert_element_type3A, %cond3A : i32
    scf.if %cond3A_1 {
      %mul3A = arith.constant 16384 : i32
      %mul3A_2 = arith.muli %arg1, %mul3A : i32
      %dma_start3A = tpu.memref_slice %arg3[%mul3A_2] : memref<262144xf32, #tpu.memory_space<hbm>> -> memref<16384xf32, #tpu.memory_space<hbm>>
      %dma_start3A_3 = tpu.memref_slice %arg3[%mul3A_2] : memref<262144xf32, #tpu.memory_space<hbm>> -> memref<16384xf32, #tpu.memory_space<hbm>>
      tpu.enqueue_dma source(%dma_start3A_3 : memref<16384xf32, #tpu.memory_space<hbm>>) target(%arg8 : memref<16384xf32, #tpu.memory_space<vmem>>) target_semaphore(%arg13 : memref<!tpu.dma_semaphore, #tpu.memory_space<semaphore_mem>>)
      %dma_start3A_4 = tpu.memref_slice %arg2[%mul3A_2] : memref<262144xf32, #tpu.memory_space<hbm>> -> memref<16384xf32, #tpu.memory_space<hbm>>
      %dma_start3A_5 = tpu.memref_slice %arg2[%mul3A_2] : memref<262144xf32, #tpu.memory_space<hbm>> -> memref<16384xf32, #tpu.memory_space<hbm>>
      tpu.enqueue_dma source(%dma_start3A_5 : memref<16384xf32, #tpu.memory_space<hbm>>) target(%arg9 : memref<16384xf32, #tpu.memory_space<vmem>>) target_semaphore(%arg13 : memref<!tpu.dma_semaphore, #tpu.memory_space<semaphore_mem>>)
      %mul3A_6 = arith.constant 2048 : i32
      %mul3A_7 = arith.muli %arg1, %mul3A_6 : i32
      %dma_start3A_8 = tpu.memref_slice %arg4[%mul3A_7] : memref<32768xf32, #tpu.memory_space<hbm>> -> memref<2048xf32, #tpu.memory_space<hbm>>
      %dma_start3A_9 = tpu.memref_slice %arg4[%mul3A_7] : memref<32768xf32, #tpu.memory_space<hbm>> -> memref<2048xf32, #tpu.memory_space<hbm>>
      tpu.enqueue_dma source(%dma_start3A_9 : memref<2048xf32, #tpu.memory_space<hbm>>) target(%arg10 : memref<2048xf32, #tpu.memory_space<vmem>>) target_semaphore(%arg13 : memref<!tpu.dma_semaphore, #tpu.memory_space<semaphore_mem>>)
      tpu.enqueue_dma source(%arg5 : memref<128xi32, #tpu.memory_space<hbm>>) target(%arg11 : memref<128xi32, #tpu.memory_space<vmem>>) target_semaphore(%arg13 : memref<!tpu.dma_semaphore, #tpu.memory_space<semaphore_mem>>)
      tpu.enqueue_dma source(%arg6 : memref<128xi32, #tpu.memory_space<hbm>>) target(%arg12 : memref<128xi32, #tpu.memory_space<vmem>>) target_semaphore(%arg13 : memref<!tpu.dma_semaphore, #tpu.memory_space<semaphore_mem>>)
      %dma_wait3A = tpu.memref_slice %arg3[%mul3A_2] : memref<262144xf32, #tpu.memory_space<hbm>> -> memref<16384xf32, #tpu.memory_space<hbm>>
      %dma_wait3A_10 = tpu.memref_slice %arg3[%mul3A_2] : memref<262144xf32, #tpu.memory_space<hbm>> -> memref<16384xf32, #tpu.memory_space<hbm>>
      tpu.wait_dma2 semaphore(%arg13 : memref<!tpu.dma_semaphore, #tpu.memory_space<semaphore_mem>>) src(%dma_wait3A_10 : memref<16384xf32, #tpu.memory_space<hbm>>) dst(%arg8 : memref<16384xf32, #tpu.memory_space<vmem>>)
      %dma_wait3A_11 = tpu.memref_slice %arg2[%mul3A_2] : memref<262144xf32, #tpu.memory_space<hbm>> -> memref<16384xf32, #tpu.memory_space<hbm>>
      %dma_wait3A_12 = tpu.memref_slice %arg2[%mul3A_2] : memref<262144xf32, #tpu.memory_space<hbm>> -> memref<16384xf32, #tpu.memory_space<hbm>>
      tpu.wait_dma2 semaphore(%arg13 : memref<!tpu.dma_semaphore, #tpu.memory_space<semaphore_mem>>) src(%dma_wait3A_12 : memref<16384xf32, #tpu.memory_space<hbm>>) dst(%arg9 : memref<16384xf32, #tpu.memory_space<vmem>>)
      %dma_wait3A_13 = tpu.memref_slice %arg4[%mul3A_7] : memref<32768xf32, #tpu.memory_space<hbm>> -> memref<2048xf32, #tpu.memory_space<hbm>>
      %dma_wait3A_14 = tpu.memref_slice %arg4[%mul3A_7] : memref<32768xf32, #tpu.memory_space<hbm>> -> memref<2048xf32, #tpu.memory_space<hbm>>
      tpu.wait_dma2 semaphore(%arg13 : memref<!tpu.dma_semaphore, #tpu.memory_space<semaphore_mem>>) src(%dma_wait3A_14 : memref<2048xf32, #tpu.memory_space<hbm>>) dst(%arg10 : memref<2048xf32, #tpu.memory_space<vmem>>)
      tpu.wait_dma2 semaphore(%arg13 : memref<!tpu.dma_semaphore, #tpu.memory_space<semaphore_mem>>) src(%arg5 : memref<128xi32, #tpu.memory_space<hbm>>) dst(%arg11 : memref<128xi32, #tpu.memory_space<vmem>>)
      tpu.wait_dma2 semaphore(%arg13 : memref<!tpu.dma_semaphore, #tpu.memory_space<semaphore_mem>>) src(%arg6 : memref<128xi32, #tpu.memory_space<hbm>>) dst(%arg12 : memref<128xi32, #tpu.memory_space<vmem>>)
      %iota3A = tpu.iota {dimensions = array<i32: 0>} : vector<16xi32>
      %scan3A = arith.constant 0 : i32
      %scan3A_15 = arith.constant 0 : i32
      %scan3A_16 = arith.constant 64 : i32
      %scan3A_17 = arith.addi %scan3A_15, %scan3A_16 : i32
      %scan3A_18 = arith.constant 1 : i32
      scf.for %scan3A_20 = %scan3A_15 to %scan3A_17 step %scan3A_18  : i32 {
        %mul3A_21 = arith.constant 2 : i32
        %mul3A_22 = arith.muli %scan3A_20, %mul3A_21 : i32
        %add3A = arith.constant 0 : i32
        %add3A_23 = arith.addi %mul3A_22, %add3A : i32
        %broadcast_in_dim3A = vector.broadcast %add3A_23 : i32 to vector<16xi32>
        %gather3A = tpu.vector_load_idx %arg11[%broadcast_in_dim3A] : memref<128xi32, #tpu.memory_space<vmem>>[vector<16xi32>], vector<16xi32>,
        %gather3A_24 = tpu.vector_load_idx %arg12[%broadcast_in_dim3A] : memref<128xi32, #tpu.memory_space<vmem>>[vector<16xi32>], vector<16xi32>,
        %mul3A_25 = arith.constant 128 : i32
        %mul3A_26 = vector.broadcast %mul3A_25 : i32 to vector<16xi32>
        %mul3A_27 = arith.muli %iota3A, %mul3A_26 : vector<16xi32>
        %add3A_28 = arith.addi %mul3A_27, %broadcast_in_dim3A : vector<16xi32>
        %gather3A_29 = tpu.vector_load_idx %arg10[%add3A_28] : memref<2048xf32, #tpu.memory_space<vmem>>[vector<16xi32>], vector<16xf32>,
        %mul3A_30 = arith.constant 1024 : i32
        %mul3A_31 = vector.broadcast %mul3A_30 : i32 to vector<16xi32>
        %mul3A_32 = arith.muli %iota3A, %mul3A_31 : vector<16xi32>
        %add3A_33 = arith.addi %mul3A_32, %gather3A : vector<16xi32>
        %gather3A_34 = tpu.vector_load_idx %arg9[%add3A_33] : memref<16384xf32, #tpu.memory_space<vmem>>[vector<16xi32>], vector<16xf32>,
        %mul3A_35 = arith.constant 1024 : i32
        %mul3A_36 = vector.broadcast %mul3A_35 : i32 to vector<16xi32>
        %mul3A_37 = arith.muli %iota3A, %mul3A_36 : vector<16xi32>
        %add3A_38 = arith.addi %mul3A_37, %gather3A_24 : vector<16xi32>
        %mul3A_39 = arith.mulf %gather3A_34, %gather3A_29 : vector<16xf32>
        tpu.vector_store_idx %arg8[%add3A_38], %mul3A_39 {add = true} : memref<16384xf32, #tpu.memory_space<vmem>>[vector<16xi32>], vector<16xf32>,
        %mul3A_40 = arith.constant 2 : i32
        %mul3A_41 = arith.muli %scan3A_20, %mul3A_40 : i32
        %add3A_42 = arith.constant 1 : i32
        %add3A_43 = arith.addi %mul3A_41, %add3A_42 : i32
        %broadcast_in_dim3A_44 = vector.broadcast %add3A_43 : i32 to vector<16xi32>
        %gather3A_45 = tpu.vector_load_idx %arg11[%broadcast_in_dim3A_44] : memref<128xi32, #tpu.memory_space<vmem>>[vector<16xi32>], vector<16xi32>,
        %gather3A_46 = tpu.vector_load_idx %arg12[%broadcast_in_dim3A_44] : memref<128xi32, #tpu.memory_space<vmem>>[vector<16xi32>], vector<16xi32>,
        %mul3A_47 = arith.constant 128 : i32
        %mul3A_48 = vector.broadcast %mul3A_47 : i32 to vector<16xi32>
        %mul3A_49 = arith.muli %iota3A, %mul3A_48 : vector<16xi32>
        %add3A_50 = arith.addi %mul3A_49, %broadcast_in_dim3A_44 : vector<16xi32>
        %gather3A_51 = tpu.vector_load_idx %arg10[%add3A_50] : memref<2048xf32, #tpu.memory_space<vmem>>[vector<16xi32>], vector<16xf32>,
        %mul3A_52 = arith.constant 1024 : i32
        %mul3A_53 = vector.broadcast %mul3A_52 : i32 to vector<16xi32>
        %mul3A_54 = arith.muli %iota3A, %mul3A_53 : vector<16xi32>
        %add3A_55 = arith.addi %mul3A_54, %gather3A_45 : vector<16xi32>
        %gather3A_56 = tpu.vector_load_idx %arg9[%add3A_55] : memref<16384xf32, #tpu.memory_space<vmem>>[vector<16xi32>], vector<16xf32>,
        %mul3A_57 = arith.constant 1024 : i32
        %mul3A_58 = vector.broadcast %mul3A_57 : i32 to vector<16xi32>
        %mul3A_59 = arith.muli %iota3A, %mul3A_58 : vector<16xi32>
        %add3A_60 = arith.addi %mul3A_59, %gather3A_46 : vector<16xi32>
        %mul3A_61 = arith.mulf %gather3A_56, %gather3A_51 : vector<16xf32>
        tpu.vector_store_idx %arg8[%add3A_60], %mul3A_61 {add = true} : memref<16384xf32, #tpu.memory_space<vmem>>[vector<16xi32>], vector<16xf32>,
      }
      %scan3A_19 = arith.constant 64 : i32
      "tpu.region"() ({
        %run_scoped3A = tpu.sem_alloc : memref<!tpu.dma_semaphore, #tpu.memory_space<semaphore_mem>>
        %dma_start3A_20 = tpu.memref_slice %arg7[%mul3A_2] : memref<262144xf32, #tpu.memory_space<hbm>> -> memref<16384xf32, #tpu.memory_space<hbm>>
        %dma_start3A_21 = tpu.memref_slice %arg7[%mul3A_2] : memref<262144xf32, #tpu.memory_space<hbm>> -> memref<16384xf32, #tpu.memory_space<hbm>>
        tpu.enqueue_dma source(%arg8 : memref<16384xf32, #tpu.memory_space<vmem>>) target(%dma_start3A_21 : memref<16384xf32, #tpu.memory_space<hbm>>) target_semaphore(%run_scoped3A : memref<!tpu.dma_semaphore, #tpu.memory_space<semaphore_mem>>)
        %dma_wait3A_22 = tpu.memref_slice %arg7[%mul3A_2] : memref<262144xf32, #tpu.memory_space<hbm>> -> memref<16384xf32, #tpu.memory_space<hbm>>
        %dma_wait3A_23 = tpu.memref_slice %arg7[%mul3A_2] : memref<262144xf32, #tpu.memory_space<hbm>> -> memref<16384xf32, #tpu.memory_space<hbm>>
        tpu.wait_dma2 semaphore(%run_scoped3A : memref<!tpu.dma_semaphore, #tpu.memory_space<semaphore_mem>>) src(%arg8 : memref<16384xf32, #tpu.memory_space<vmem>>) dst(%dma_wait3A_23 : memref<16384xf32, #tpu.memory_space<hbm>>)
        tpu.yield
      }) : () -> ()
    } else {
    }
    return
  }
}

module attributes {stable_mosaic.version = 14 : i64} {
  func.func @body(%arg0: memref<256x1024xf32, #tpu.memory_space<vmem>>, %arg1: memref<256x256xf32, #tpu.memory_space<vmem>>, %arg2: memref<256x1xf32, #tpu.memory_space<vmem>>, %arg3: memref<256x1xf32, #tpu.memory_space<vmem>>, %arg4: memref<256x1xf32, #tpu.memory_space<vmem>>, %arg5: memref<8x128xf32, #tpu.memory_space<vmem>>, %arg6: memref<128x8xf32, #tpu.memory_space<vmem>>, %arg7: memref<256x1024xf32, #tpu.memory_space<vmem>>, %arg8: memref<256x1024xf32, #tpu.memory_space<vmem>>, %arg9: memref<256x128xf32, #tpu.memory_space<vmem>>) attributes {dimension_semantics = [], scalar_prefetch = 0 : i64, scratch_operands = 0 : i64, tpu.core_type = #tpu.core_type<tc>} {
    %get3A = arith.constant 0 : index
    %get3A_0 = arith.constant 0 : index
    %get3A_1 = vector.load %arg5[%get3A, %get3A_0] : memref<8x128xf32, #tpu.memory_space<vmem>>, vector<1x128xf32>
    %get3A_2 = arith.constant 1 : index
    %get3A_3 = arith.constant 0 : index
    %get3A_4 = vector.load %arg5[%get3A_2, %get3A_3] : memref<8x128xf32, #tpu.memory_space<vmem>>, vector<1x128xf32>
    %get3A_5 = arith.constant 2 : index
    %get3A_6 = arith.constant 0 : index
    %get3A_7 = vector.load %arg5[%get3A_5, %get3A_6] : memref<8x128xf32, #tpu.memory_space<vmem>>, vector<1x128xf32>
    %get3A_8 = arith.constant 0 : index
    %get3A_9 = arith.constant 1 : index
    %get3A_10 = vector.load %arg6[%get3A_8, %get3A_9] : memref<128x8xf32, #tpu.memory_space<vmem>>, vector<128x1xf32>
    %iota3A = tpu.iota {dimensions = array<i32: 0>} : vector<1024x128xi32>
    %convert_element_type3A = arith.sitofp %iota3A : vector<1024x128xi32> to vector<1024x128xf32>
    %eq3A = vector.broadcast %get3A_1 : vector<1x128xf32> to vector<1024x128xf32>
    %eq3A_11 = arith.cmpf oeq, %convert_element_type3A, %eq3A : vector<1024x128xf32>
    %jit3A = arith.constant 1.000000e+00 : f32
    %jit3A_12 = arith.constant 0.000000e+00 : f32
    %broadcast_in_dim3A = vector.broadcast %jit3A : f32 to vector<1024x128xf32>
    %broadcast_in_dim3A_13 = vector.broadcast %jit3A_12 : f32 to vector<1024x128xf32>
    %select_n3A = arith.select %eq3A_11, %broadcast_in_dim3A, %broadcast_in_dim3A_13 : vector<1024x128xi1>, vector<1024x128xf32>
    %eq3A_14 = vector.broadcast %get3A_4 : vector<1x128xf32> to vector<1024x128xf32>
    %eq3A_15 = arith.cmpf oeq, %convert_element_type3A, %eq3A_14 : vector<1024x128xf32>
    %jit3A_16 = arith.constant 1.000000e+00 : f32
    %jit3A_17 = arith.constant 0.000000e+00 : f32
    %broadcast_in_dim3A_18 = vector.broadcast %jit3A_16 : f32 to vector<1024x128xf32>
    %broadcast_in_dim3A_19 = vector.broadcast %jit3A_17 : f32 to vector<1024x128xf32>
    %select_n3A_20 = arith.select %eq3A_15, %broadcast_in_dim3A_18, %broadcast_in_dim3A_19 : vector<1024x128xi1>, vector<1024x128xf32>
    %iota3A_21 = tpu.iota {dimensions = array<i32: 1>} : vector<128x1024xi32>
    %convert_element_type3A_22 = arith.sitofp %iota3A_21 : vector<128x1024xi32> to vector<128x1024xf32>
    %eq3A_23 = vector.broadcast %get3A_10 : vector<128x1xf32> to vector<128x1024xf32>
    %eq3A_24 = arith.cmpf oeq, %convert_element_type3A_22, %eq3A_23 : vector<128x1024xf32>
    %jit3A_25 = arith.constant 1.000000e+00 : f32
    %jit3A_26 = arith.constant 0.000000e+00 : f32
    %broadcast_in_dim3A_27 = vector.broadcast %jit3A_25 : f32 to vector<128x1024xf32>
    %broadcast_in_dim3A_28 = vector.broadcast %jit3A_26 : f32 to vector<128x1024xf32>
    %select_n3A_29 = arith.select %eq3A_24, %broadcast_in_dim3A_27, %broadcast_in_dim3A_28 : vector<128x1024xi1>, vector<128x1024xf32>
    %iota3A_30 = tpu.iota {dimensions = array<i32: 0>} : vector<256x8xi32>
    %iota3A_31 = tpu.iota {dimensions = array<i32: 1>} : vector<256x8xi32>
    %jit3A_32 = arith.constant 64 : i32
    %div3A = vector.broadcast %jit3A_32 : i32 to vector<256x8xi32>
    %div3A_33 = arith.divsi %iota3A_30, %div3A : vector<256x8xi32>
    %sign3A = arith.constant 0 : i32
    %sign3A_34 = vector.broadcast %sign3A : i32 to vector<256x8xi32>
    %sign3A_35 = arith.cmpi sgt, %iota3A_30, %sign3A_34 : vector<256x8xi32>
    %sign3A_36 = arith.extui %sign3A_35 : vector<256x8xi1> to vector<256x8xi32>
    %sign3A_37 = arith.constant 0 : i32
    %sign3A_38 = vector.broadcast %sign3A_37 : i32 to vector<256x8xi32>
    %sign3A_39 = arith.cmpi slt, %iota3A_30, %sign3A_38 : vector<256x8xi32>
    %sign3A_40 = arith.extui %sign3A_39 : vector<256x8xi1> to vector<256x8xi32>
    %sign3A_41 = arith.subi %sign3A_36, %sign3A_40 : vector<256x8xi32>
    %sign3A_42 = arith.constant 0 : i32
    %sign3A_43 = arith.cmpi sgt, %jit3A_32, %sign3A_42 : i32
    %sign3A_44 = arith.extui %sign3A_43 : i1 to i32
    %sign3A_45 = arith.constant 0 : i32
    %sign3A_46 = arith.cmpi slt, %jit3A_32, %sign3A_45 : i32
    %sign3A_47 = arith.extui %sign3A_46 : i1 to i32
    %sign3A_48 = arith.subi %sign3A_44, %sign3A_47 : i32
    %ne3A = vector.broadcast %sign3A_48 : i32 to vector<256x8xi32>
    %ne3A_49 = arith.cmpi ne, %sign3A_41, %ne3A : vector<256x8xi32>
    %rem3A = vector.broadcast %jit3A_32 : i32 to vector<256x8xi32>
    %rem3A_50 = arith.remsi %iota3A_30, %rem3A : vector<256x8xi32>
    %ne3A_51 = arith.constant 0 : i32
    %ne3A_52 = vector.broadcast %ne3A_51 : i32 to vector<256x8xi32>
    %ne3A_53 = arith.cmpi ne, %rem3A_50, %ne3A_52 : vector<256x8xi32>
    %and3A = arith.andi %ne3A_49, %ne3A_53 : vector<256x8xi1>
    %sub3A = arith.constant 1 : i32
    %sub3A_54 = vector.broadcast %sub3A : i32 to vector<256x8xi32>
    %sub3A_55 = arith.subi %div3A_33, %sub3A_54 : vector<256x8xi32>
    %select_n3A_56 = arith.select %and3A, %sub3A_55, %div3A_33 : vector<256x8xi1>, vector<256x8xi32>
    %eq3A_57 = arith.cmpi eq, %select_n3A_56, %iota3A_31 : vector<256x8xi32>
    %jit3A_58 = arith.constant 1.000000e+00 : f32
    %jit3A_59 = arith.constant 0.000000e+00 : f32
    %broadcast_in_dim3A_60 = vector.broadcast %jit3A_58 : f32 to vector<256x8xf32>
    %broadcast_in_dim3A_61 = vector.broadcast %jit3A_59 : f32 to vector<256x8xf32>
    %select_n3A_62 = arith.select %eq3A_57, %broadcast_in_dim3A_60, %broadcast_in_dim3A_61 : vector<256x8xi1>, vector<256x8xf32>
    %iota3A_63 = tpu.iota {dimensions = array<i32: 1>} : vector<8x256xi32>
    %iota3A_64 = tpu.iota {dimensions = array<i32: 0>} : vector<8x256xi32>
    %jit3A_65 = arith.constant 64 : i32
    %div3A_66 = vector.broadcast %jit3A_65 : i32 to vector<8x256xi32>
    %div3A_67 = arith.divsi %iota3A_63, %div3A_66 : vector<8x256xi32>
    %sign3A_68 = arith.constant 0 : i32
    %sign3A_69 = vector.broadcast %sign3A_68 : i32 to vector<8x256xi32>
    %sign3A_70 = arith.cmpi sgt, %iota3A_63, %sign3A_69 : vector<8x256xi32>
    %sign3A_71 = arith.extui %sign3A_70 : vector<8x256xi1> to vector<8x256xi32>
    %sign3A_72 = arith.constant 0 : i32
    %sign3A_73 = vector.broadcast %sign3A_72 : i32 to vector<8x256xi32>
    %sign3A_74 = arith.cmpi slt, %iota3A_63, %sign3A_73 : vector<8x256xi32>
    %sign3A_75 = arith.extui %sign3A_74 : vector<8x256xi1> to vector<8x256xi32>
    %sign3A_76 = arith.subi %sign3A_71, %sign3A_75 : vector<8x256xi32>
    %sign3A_77 = arith.constant 0 : i32
    %sign3A_78 = arith.cmpi sgt, %jit3A_65, %sign3A_77 : i32
    %sign3A_79 = arith.extui %sign3A_78 : i1 to i32
    %sign3A_80 = arith.constant 0 : i32
    %sign3A_81 = arith.cmpi slt, %jit3A_65, %sign3A_80 : i32
    %sign3A_82 = arith.extui %sign3A_81 : i1 to i32
    %sign3A_83 = arith.subi %sign3A_79, %sign3A_82 : i32
    %ne3A_84 = vector.broadcast %sign3A_83 : i32 to vector<8x256xi32>
    %ne3A_85 = arith.cmpi ne, %sign3A_76, %ne3A_84 : vector<8x256xi32>
    %rem3A_86 = vector.broadcast %jit3A_65 : i32 to vector<8x256xi32>
    %rem3A_87 = arith.remsi %iota3A_63, %rem3A_86 : vector<8x256xi32>
    %ne3A_88 = arith.constant 0 : i32
    %ne3A_89 = vector.broadcast %ne3A_88 : i32 to vector<8x256xi32>
    %ne3A_90 = arith.cmpi ne, %rem3A_87, %ne3A_89 : vector<8x256xi32>
    %and3A_91 = arith.andi %ne3A_85, %ne3A_90 : vector<8x256xi1>
    %sub3A_92 = arith.constant 1 : i32
    %sub3A_93 = vector.broadcast %sub3A_92 : i32 to vector<8x256xi32>
    %sub3A_94 = arith.subi %div3A_67, %sub3A_93 : vector<8x256xi32>
    %select_n3A_95 = arith.select %and3A_91, %sub3A_94, %div3A_67 : vector<8x256xi1>, vector<8x256xi32>
    %eq3A_96 = arith.cmpi eq, %select_n3A_95, %iota3A_64 : vector<8x256xi32>
    %jit3A_97 = arith.constant 1.000000e+00 : f32
    %jit3A_98 = arith.constant 0.000000e+00 : f32
    %broadcast_in_dim3A_99 = vector.broadcast %jit3A_97 : f32 to vector<8x256xf32>
    %broadcast_in_dim3A_100 = vector.broadcast %jit3A_98 : f32 to vector<8x256xf32>
    %select_n3A_101 = arith.select %eq3A_96, %broadcast_in_dim3A_99, %broadcast_in_dim3A_100 : vector<8x256xi1>, vector<8x256xf32>
    %get3A_102 = arith.constant 0 : index
    %get3A_103 = arith.constant 0 : index
    %get3A_104 = vector.load %arg0[%get3A_102, %get3A_103] : memref<256x1024xf32, #tpu.memory_space<vmem>>, vector<256x1024xf32>
    %get3A_105 = arith.constant 0 : index
    %get3A_106 = arith.constant 0 : index
    %get3A_107 = vector.load %arg1[%get3A_105, %get3A_106] : memref<256x256xf32, #tpu.memory_space<vmem>>, vector<256x256xf32>
    %dot_general3A = arith.constant dense<0.000000e+00> : vector<256x1024xf32>
    %dot_general3A_108 = tpu.matmul %get3A_107, %get3A_104, %dot_general3A {dimension_numbers = #tpu.dot_dimension_numbers<[1], [0], [0], [1], [0, 0, 1, 1], [], []>, transpose_lhs_hint = false} : vector<256x256xf32>, vector<256x1024xf32>, vector<256x1024xf32> -> vector<256x1024xf32>
    %get3A_109 = arith.constant 0 : index
    %get3A_110 = arith.constant 0 : index
    %get3A_111 = vector.load %arg2[%get3A_109, %get3A_110] : memref<256x1xf32, #tpu.memory_space<vmem>>, vector<256x1xf32>
    %mul3A = vector.broadcast %get3A_111 : vector<256x1xf32> to vector<256x1024xf32>
    %mul3A_112 = arith.mulf %mul3A, %dot_general3A_108 : vector<256x1024xf32>
    %dot_general3A_113 = arith.constant dense<0.000000e+00> : vector<8x1024xf32>
    %dot_general3A_114 = tpu.matmul %select_n3A_101, %mul3A_112, %dot_general3A_113 {dimension_numbers = #tpu.dot_dimension_numbers<[1], [0], [0], [1], [0, 0, 1, 1], [], []>, transpose_lhs_hint = false} : vector<8x256xf32>, vector<256x1024xf32>, vector<8x1024xf32> -> vector<8x1024xf32>
    %get3A_115 = arith.constant 0 : index
    %get3A_116 = arith.constant 0 : index
    %get3A_117 = vector.load %arg3[%get3A_115, %get3A_116] : memref<256x1xf32, #tpu.memory_space<vmem>>, vector<256x1xf32>
    %mul3A_118 = vector.broadcast %get3A_117 : vector<256x1xf32> to vector<256x1024xf32>
    %mul3A_119 = arith.mulf %mul3A_118, %dot_general3A_108 : vector<256x1024xf32>
    %dot_general3A_120 = arith.constant dense<0.000000e+00> : vector<8x1024xf32>
    %dot_general3A_121 = tpu.matmul %select_n3A_101, %mul3A_119, %dot_general3A_120 {dimension_numbers = #tpu.dot_dimension_numbers<[1], [0], [0], [1], [0, 0, 1, 1], [], []>, transpose_lhs_hint = false} : vector<8x256xf32>, vector<256x1024xf32>, vector<8x1024xf32> -> vector<8x1024xf32>
    %add3A = arith.addf %dot_general3A_114, %dot_general3A_121 : vector<8x1024xf32>
    %ge3A = arith.constant 0.000000e+00 : f32
    %ge3A_122 = vector.broadcast %ge3A : f32 to vector<8x1024xf32>
    %ge3A_123 = arith.cmpf oge, %add3A, %ge3A_122 : vector<8x1024xf32>
    %mul3A_124 = arith.constant 2.000000e-01 : f32
    %mul3A_125 = vector.broadcast %mul3A_124 : f32 to vector<8x1024xf32>
    %mul3A_126 = arith.mulf %mul3A_125, %add3A : vector<8x1024xf32>
    %select_n3A_127 = arith.select %ge3A_123, %add3A, %mul3A_126 : vector<8x1024xi1>, vector<8x1024xf32>
    %dot_general3A_128 = arith.constant dense<0.000000e+00> : vector<8x128xf32>
    %dot_general3A_129 = tpu.matmul %dot_general3A_114, %select_n3A, %dot_general3A_128 {dimension_numbers = #tpu.dot_dimension_numbers<[1], [0], [0], [1], [0, 0, 1, 1], [], []>, transpose_lhs_hint = false} : vector<8x1024xf32>, vector<1024x128xf32>, vector<8x128xf32> -> vector<8x128xf32>
    %dot_general3A_130 = arith.constant dense<0.000000e+00> : vector<8x128xf32>
    %dot_general3A_131 = tpu.matmul %dot_general3A_121, %select_n3A_20, %dot_general3A_130 {dimension_numbers = #tpu.dot_dimension_numbers<[1], [0], [0], [1], [0, 0, 1, 1], [], []>, transpose_lhs_hint = false} : vector<8x1024xf32>, vector<1024x128xf32>, vector<8x128xf32> -> vector<8x128xf32>
    %add3A_132 = arith.addf %dot_general3A_129, %dot_general3A_131 : vector<8x128xf32>
    %ge3A_133 = arith.constant 0.000000e+00 : f32
    %ge3A_134 = vector.broadcast %ge3A_133 : f32 to vector<8x128xf32>
    %ge3A_135 = arith.cmpf oge, %add3A_132, %ge3A_134 : vector<8x128xf32>
    %mul3A_136 = arith.constant 2.000000e-01 : f32
    %mul3A_137 = vector.broadcast %mul3A_136 : f32 to vector<8x128xf32>
    %mul3A_138 = arith.mulf %mul3A_137, %add3A_132 : vector<8x128xf32>
    %select_n3A_139 = arith.select %ge3A_135, %add3A_132, %mul3A_138 : vector<8x128xi1>, vector<8x128xf32>
    %dot_general3A_140 = arith.constant dense<0.000000e+00> : vector<8x128xf32>
    %dot_general3A_141 = tpu.matmul %select_n3A_127, %select_n3A_20, %dot_general3A_140 {dimension_numbers = #tpu.dot_dimension_numbers<[1], [0], [0], [1], [0, 0, 1, 1], [], []>, transpose_lhs_hint = false} : vector<8x1024xf32>, vector<1024x128xf32>, vector<8x128xf32> -> vector<8x128xf32>
    %sub3A_142 = arith.subf %select_n3A_139, %dot_general3A_141 : vector<8x128xf32>
    %exp3A = math.exp %sub3A_142 : vector<8x128xf32>
    %mul3A_143 = vector.broadcast %get3A_7 : vector<1x128xf32> to vector<8x128xf32>
    %mul3A_144 = arith.mulf %exp3A, %mul3A_143 : vector<8x128xf32>
    %dot_general3A_145 = arith.constant dense<0.000000e+00> : vector<8x1024xf32>
    %dot_general3A_146 = tpu.matmul %mul3A_144, %select_n3A_29, %dot_general3A_145 {dimension_numbers = #tpu.dot_dimension_numbers<[1], [0], [0], [1], [0, 0, 1, 1], [], []>, transpose_lhs_hint = false} : vector<8x128xf32>, vector<128x1024xf32>, vector<8x1024xf32> -> vector<8x1024xf32>
    %add3A_147 = arith.constant 1.000000e+00 : f32
    %add3A_148 = vector.broadcast %add3A_147 : f32 to vector<8x1024xf32>
    %add3A_149 = arith.addf %dot_general3A_146, %add3A_148 : vector<8x1024xf32>
    %div3A_150 = arith.constant 1.000000e+00 : f32
    %div3A_151 = vector.broadcast %div3A_150 : f32 to vector<8x1024xf32>
    %div3A_152 = arith.divf %div3A_151, %add3A_149 : vector<8x1024xf32>
    %dot_general3A_153 = arith.constant dense<0.000000e+00> : vector<8x128xf32>
    %dot_general3A_154 = tpu.matmul %add3A_149, %select_n3A_20, %dot_general3A_153 {dimension_numbers = #tpu.dot_dimension_numbers<[1], [0], [0], [1], [0, 0, 1, 1], [], []>, transpose_lhs_hint = false} : vector<8x1024xf32>, vector<1024x128xf32>, vector<8x128xf32> -> vector<8x128xf32>
    %sub3A_155 = arith.constant 1.000000e+00 : f32
    %sub3A_156 = vector.broadcast %sub3A_155 : f32 to vector<1x128xf32>
    %sub3A_157 = arith.subf %sub3A_156, %get3A_7 : vector<1x128xf32>
    %add3A_158 = vector.broadcast %sub3A_157 : vector<1x128xf32> to vector<8x128xf32>
    %add3A_159 = arith.addf %dot_general3A_154, %add3A_158 : vector<8x128xf32>
    %div3A_160 = arith.divf %mul3A_144, %add3A_159 : vector<8x128xf32>
    %swap3A = arith.constant 0 : index
    %swap3A_161 = arith.constant 0 : index
    %swap3A_162 = vector.load %arg7[%swap3A, %swap3A_161] : memref<256x1024xf32, #tpu.memory_space<vmem>>, vector<256x1024xf32>
    tpu.vector_store %arg7[%swap3A, %swap3A_161], %dot_general3A_108 {strides = array<i32>} : memref<256x1024xf32, #tpu.memory_space<vmem>>, vector<256x1024xf32>,
    %dot_general3A_163 = arith.constant dense<0.000000e+00> : vector<256x1024xf32>
    %dot_general3A_164 = tpu.matmul %select_n3A_62, %div3A_152, %dot_general3A_163 {dimension_numbers = #tpu.dot_dimension_numbers<[1], [0], [0], [1], [0, 0, 1, 1], [], []>, transpose_lhs_hint = false} : vector<256x8xf32>, vector<8x1024xf32>, vector<256x1024xf32> -> vector<256x1024xf32>
    %mul3A_165 = arith.mulf %dot_general3A_164, %dot_general3A_108 : vector<256x1024xf32>
    %get3A_166 = arith.constant 0 : index
    %get3A_167 = arith.constant 0 : index
    %get3A_168 = vector.load %arg4[%get3A_166, %get3A_167] : memref<256x1xf32, #tpu.memory_space<vmem>>, vector<256x1xf32>
    %add3A_169 = vector.broadcast %get3A_168 : vector<256x1xf32> to vector<256x1024xf32>
    %add3A_170 = arith.addf %mul3A_165, %add3A_169 : vector<256x1024xf32>
    %swap3A_171 = arith.constant 0 : index
    %swap3A_172 = arith.constant 0 : index
    %swap3A_173 = vector.load %arg8[%swap3A_171, %swap3A_172] : memref<256x1024xf32, #tpu.memory_space<vmem>>, vector<256x1024xf32>
    tpu.vector_store %arg8[%swap3A_171, %swap3A_172], %add3A_170 {strides = array<i32>} : memref<256x1024xf32, #tpu.memory_space<vmem>>, vector<256x1024xf32>,
    %dot_general3A_174 = arith.constant dense<0.000000e+00> : vector<256x128xf32>
    %dot_general3A_175 = tpu.matmul %select_n3A_62, %div3A_160, %dot_general3A_174 {dimension_numbers = #tpu.dot_dimension_numbers<[1], [0], [0], [1], [0, 0, 1, 1], [], []>, transpose_lhs_hint = false} : vector<256x8xf32>, vector<8x128xf32>, vector<256x128xf32> -> vector<256x128xf32>
    %swap3A_176 = arith.constant 0 : index
    %swap3A_177 = arith.constant 0 : index
    %swap3A_178 = vector.load %arg9[%swap3A_176, %swap3A_177] : memref<256x128xf32, #tpu.memory_space<vmem>>, vector<256x128xf32>
    tpu.vector_store %arg9[%swap3A_176, %swap3A_177], %dot_general3A_175 {strides = array<i32>} : memref<256x128xf32, #tpu.memory_space<vmem>>, vector<256x128xf32>,
    return
  }
}

module attributes {stable_mosaic.version = 14 : i64} {
  func.func @body(%arg0: memref<256x1024xf32, #tpu.memory_space<vmem>>, %arg1: memref<256x256xf32, #tpu.memory_space<vmem>>, %arg2: memref<256x1xf32, #tpu.memory_space<vmem>>, %arg3: memref<256x1xf32, #tpu.memory_space<vmem>>, %arg4: memref<256x1xf32, #tpu.memory_space<vmem>>, %arg5: memref<8x128xf32, #tpu.memory_space<vmem>>, %arg6: memref<128x8xf32, #tpu.memory_space<vmem>>, %arg7: memref<256x1024xf32, #tpu.memory_space<vmem>>, %arg8: memref<256x1024xf32, #tpu.memory_space<vmem>>, %arg9: memref<256x128xf32, #tpu.memory_space<vmem>>) attributes {dimension_semantics = [], scalar_prefetch = 0 : i64, scratch_operands = 0 : i64, tpu.core_type = #tpu.core_type<tc>} {
    %get3A = arith.constant 0 : index
    %get3A_0 = arith.constant 0 : index
    %get3A_1 = vector.load %arg5[%get3A, %get3A_0] : memref<8x128xf32, #tpu.memory_space<vmem>>, vector<1x128xf32>
    %get3A_2 = arith.constant 1 : index
    %get3A_3 = arith.constant 0 : index
    %get3A_4 = vector.load %arg5[%get3A_2, %get3A_3] : memref<8x128xf32, #tpu.memory_space<vmem>>, vector<1x128xf32>
    %get3A_5 = arith.constant 2 : index
    %get3A_6 = arith.constant 0 : index
    %get3A_7 = vector.load %arg5[%get3A_5, %get3A_6] : memref<8x128xf32, #tpu.memory_space<vmem>>, vector<1x128xf32>
    %get3A_8 = arith.constant 0 : index
    %get3A_9 = arith.constant 1 : index
    %get3A_10 = vector.load %arg6[%get3A_8, %get3A_9] : memref<128x8xf32, #tpu.memory_space<vmem>>, vector<128x1xf32>
    %iota3A = tpu.iota {dimensions = array<i32: 0>} : vector<1024x128xi32>
    %convert_element_type3A = arith.sitofp %iota3A : vector<1024x128xi32> to vector<1024x128xf32>
    %eq3A = vector.broadcast %get3A_1 : vector<1x128xf32> to vector<1024x128xf32>
    %eq3A_11 = arith.cmpf oeq, %convert_element_type3A, %eq3A : vector<1024x128xf32>
    %jit3A = arith.constant 1.000000e+00 : f32
    %jit3A_12 = arith.constant 0.000000e+00 : f32
    %broadcast_in_dim3A = vector.broadcast %jit3A : f32 to vector<1024x128xf32>
    %broadcast_in_dim3A_13 = vector.broadcast %jit3A_12 : f32 to vector<1024x128xf32>
    %select_n3A = arith.select %eq3A_11, %broadcast_in_dim3A, %broadcast_in_dim3A_13 : vector<1024x128xi1>, vector<1024x128xf32>
    %eq3A_14 = vector.broadcast %get3A_4 : vector<1x128xf32> to vector<1024x128xf32>
    %eq3A_15 = arith.cmpf oeq, %convert_element_type3A, %eq3A_14 : vector<1024x128xf32>
    %jit3A_16 = arith.constant 1.000000e+00 : f32
    %jit3A_17 = arith.constant 0.000000e+00 : f32
    %broadcast_in_dim3A_18 = vector.broadcast %jit3A_16 : f32 to vector<1024x128xf32>
    %broadcast_in_dim3A_19 = vector.broadcast %jit3A_17 : f32 to vector<1024x128xf32>
    %select_n3A_20 = arith.select %eq3A_15, %broadcast_in_dim3A_18, %broadcast_in_dim3A_19 : vector<1024x128xi1>, vector<1024x128xf32>
    %iota3A_21 = tpu.iota {dimensions = array<i32: 1>} : vector<128x1024xi32>
    %convert_element_type3A_22 = arith.sitofp %iota3A_21 : vector<128x1024xi32> to vector<128x1024xf32>
    %eq3A_23 = vector.broadcast %get3A_10 : vector<128x1xf32> to vector<128x1024xf32>
    %eq3A_24 = arith.cmpf oeq, %convert_element_type3A_22, %eq3A_23 : vector<128x1024xf32>
    %jit3A_25 = arith.constant 1.000000e+00 : f32
    %jit3A_26 = arith.constant 0.000000e+00 : f32
    %broadcast_in_dim3A_27 = vector.broadcast %jit3A_25 : f32 to vector<128x1024xf32>
    %broadcast_in_dim3A_28 = vector.broadcast %jit3A_26 : f32 to vector<128x1024xf32>
    %select_n3A_29 = arith.select %eq3A_24, %broadcast_in_dim3A_27, %broadcast_in_dim3A_28 : vector<128x1024xi1>, vector<128x1024xf32>
    %iota3A_30 = tpu.iota {dimensions = array<i32: 0>} : vector<256x8xi32>
    %iota3A_31 = tpu.iota {dimensions = array<i32: 1>} : vector<256x8xi32>
    %jit3A_32 = arith.constant 64 : i32
    %div3A = vector.broadcast %jit3A_32 : i32 to vector<256x8xi32>
    %div3A_33 = arith.divsi %iota3A_30, %div3A : vector<256x8xi32>
    %sign3A = arith.constant 0 : i32
    %sign3A_34 = vector.broadcast %sign3A : i32 to vector<256x8xi32>
    %sign3A_35 = arith.cmpi sgt, %iota3A_30, %sign3A_34 : vector<256x8xi32>
    %sign3A_36 = arith.extui %sign3A_35 : vector<256x8xi1> to vector<256x8xi32>
    %sign3A_37 = arith.constant 0 : i32
    %sign3A_38 = vector.broadcast %sign3A_37 : i32 to vector<256x8xi32>
    %sign3A_39 = arith.cmpi slt, %iota3A_30, %sign3A_38 : vector<256x8xi32>
    %sign3A_40 = arith.extui %sign3A_39 : vector<256x8xi1> to vector<256x8xi32>
    %sign3A_41 = arith.subi %sign3A_36, %sign3A_40 : vector<256x8xi32>
    %sign3A_42 = arith.constant 0 : i32
    %sign3A_43 = arith.cmpi sgt, %jit3A_32, %sign3A_42 : i32
    %sign3A_44 = arith.extui %sign3A_43 : i1 to i32
    %sign3A_45 = arith.constant 0 : i32
    %sign3A_46 = arith.cmpi slt, %jit3A_32, %sign3A_45 : i32
    %sign3A_47 = arith.extui %sign3A_46 : i1 to i32
    %sign3A_48 = arith.subi %sign3A_44, %sign3A_47 : i32
    %ne3A = vector.broadcast %sign3A_48 : i32 to vector<256x8xi32>
    %ne3A_49 = arith.cmpi ne, %sign3A_41, %ne3A : vector<256x8xi32>
    %rem3A = vector.broadcast %jit3A_32 : i32 to vector<256x8xi32>
    %rem3A_50 = arith.remsi %iota3A_30, %rem3A : vector<256x8xi32>
    %ne3A_51 = arith.constant 0 : i32
    %ne3A_52 = vector.broadcast %ne3A_51 : i32 to vector<256x8xi32>
    %ne3A_53 = arith.cmpi ne, %rem3A_50, %ne3A_52 : vector<256x8xi32>
    %and3A = arith.andi %ne3A_49, %ne3A_53 : vector<256x8xi1>
    %sub3A = arith.constant 1 : i32
    %sub3A_54 = vector.broadcast %sub3A : i32 to vector<256x8xi32>
    %sub3A_55 = arith.subi %div3A_33, %sub3A_54 : vector<256x8xi32>
    %select_n3A_56 = arith.select %and3A, %sub3A_55, %div3A_33 : vector<256x8xi1>, vector<256x8xi32>
    %eq3A_57 = arith.cmpi eq, %select_n3A_56, %iota3A_31 : vector<256x8xi32>
    %jit3A_58 = arith.constant 1.000000e+00 : f32
    %jit3A_59 = arith.constant 0.000000e+00 : f32
    %broadcast_in_dim3A_60 = vector.broadcast %jit3A_58 : f32 to vector<256x8xf32>
    %broadcast_in_dim3A_61 = vector.broadcast %jit3A_59 : f32 to vector<256x8xf32>
    %select_n3A_62 = arith.select %eq3A_57, %broadcast_in_dim3A_60, %broadcast_in_dim3A_61 : vector<256x8xi1>, vector<256x8xf32>
    %iota3A_63 = tpu.iota {dimensions = array<i32: 1>} : vector<8x256xi32>
    %iota3A_64 = tpu.iota {dimensions = array<i32: 0>} : vector<8x256xi32>
    %jit3A_65 = arith.constant 64 : i32
    %div3A_66 = vector.broadcast %jit3A_65 : i32 to vector<8x256xi32>
    %div3A_67 = arith.divsi %iota3A_63, %div3A_66 : vector<8x256xi32>
    %sign3A_68 = arith.constant 0 : i32
    %sign3A_69 = vector.broadcast %sign3A_68 : i32 to vector<8x256xi32>
    %sign3A_70 = arith.cmpi sgt, %iota3A_63, %sign3A_69 : vector<8x256xi32>
    %sign3A_71 = arith.extui %sign3A_70 : vector<8x256xi1> to vector<8x256xi32>
    %sign3A_72 = arith.constant 0 : i32
    %sign3A_73 = vector.broadcast %sign3A_72 : i32 to vector<8x256xi32>
    %sign3A_74 = arith.cmpi slt, %iota3A_63, %sign3A_73 : vector<8x256xi32>
    %sign3A_75 = arith.extui %sign3A_74 : vector<8x256xi1> to vector<8x256xi32>
    %sign3A_76 = arith.subi %sign3A_71, %sign3A_75 : vector<8x256xi32>
    %sign3A_77 = arith.constant 0 : i32
    %sign3A_78 = arith.cmpi sgt, %jit3A_65, %sign3A_77 : i32
    %sign3A_79 = arith.extui %sign3A_78 : i1 to i32
    %sign3A_80 = arith.constant 0 : i32
    %sign3A_81 = arith.cmpi slt, %jit3A_65, %sign3A_80 : i32
    %sign3A_82 = arith.extui %sign3A_81 : i1 to i32
    %sign3A_83 = arith.subi %sign3A_79, %sign3A_82 : i32
    %ne3A_84 = vector.broadcast %sign3A_83 : i32 to vector<8x256xi32>
    %ne3A_85 = arith.cmpi ne, %sign3A_76, %ne3A_84 : vector<8x256xi32>
    %rem3A_86 = vector.broadcast %jit3A_65 : i32 to vector<8x256xi32>
    %rem3A_87 = arith.remsi %iota3A_63, %rem3A_86 : vector<8x256xi32>
    %ne3A_88 = arith.constant 0 : i32
    %ne3A_89 = vector.broadcast %ne3A_88 : i32 to vector<8x256xi32>
    %ne3A_90 = arith.cmpi ne, %rem3A_87, %ne3A_89 : vector<8x256xi32>
    %and3A_91 = arith.andi %ne3A_85, %ne3A_90 : vector<8x256xi1>
    %sub3A_92 = arith.constant 1 : i32
    %sub3A_93 = vector.broadcast %sub3A_92 : i32 to vector<8x256xi32>
    %sub3A_94 = arith.subi %div3A_67, %sub3A_93 : vector<8x256xi32>
    %select_n3A_95 = arith.select %and3A_91, %sub3A_94, %div3A_67 : vector<8x256xi1>, vector<8x256xi32>
    %eq3A_96 = arith.cmpi eq, %select_n3A_95, %iota3A_64 : vector<8x256xi32>
    %jit3A_97 = arith.constant 1.000000e+00 : f32
    %jit3A_98 = arith.constant 0.000000e+00 : f32
    %broadcast_in_dim3A_99 = vector.broadcast %jit3A_97 : f32 to vector<8x256xf32>
    %broadcast_in_dim3A_100 = vector.broadcast %jit3A_98 : f32 to vector<8x256xf32>
    %select_n3A_101 = arith.select %eq3A_96, %broadcast_in_dim3A_99, %broadcast_in_dim3A_100 : vector<8x256xi1>, vector<8x256xf32>
    %get3A_102 = arith.constant 0 : index
    %get3A_103 = arith.constant 0 : index
    %get3A_104 = vector.load %arg0[%get3A_102, %get3A_103] : memref<256x1024xf32, #tpu.memory_space<vmem>>, vector<256x1024xf32>
    %gt3A = arith.constant 0.000000e+00 : f32
    %gt3A_105 = vector.broadcast %gt3A : f32 to vector<256x1024xf32>
    %gt3A_106 = arith.cmpf ogt, %get3A_104, %gt3A_105 : vector<256x1024xf32>
    %min3A = arith.constant 0.000000e+00 : f32
    %min3A_107 = vector.broadcast %min3A : f32 to vector<256x1024xf32>
    %min3A_108 = arith.minimumf %get3A_104, %min3A_107 : vector<256x1024xf32>
    %exp3A = math.exp %min3A_108 : vector<256x1024xf32>
    %sub3A_109 = arith.constant 1.000000e+00 : f32
    %sub3A_110 = vector.broadcast %sub3A_109 : f32 to vector<256x1024xf32>
    %sub3A_111 = arith.subf %exp3A, %sub3A_110 : vector<256x1024xf32>
    %select_n3A_112 = arith.select %gt3A_106, %get3A_104, %sub3A_111 : vector<256x1024xi1>, vector<256x1024xf32>
    %get3A_113 = arith.constant 0 : index
    %get3A_114 = arith.constant 0 : index
    %get3A_115 = vector.load %arg1[%get3A_113, %get3A_114] : memref<256x256xf32, #tpu.memory_space<vmem>>, vector<256x256xf32>
    %dot_general3A = arith.constant dense<0.000000e+00> : vector<256x1024xf32>
    %dot_general3A_116 = tpu.matmul %get3A_115, %select_n3A_112, %dot_general3A {dimension_numbers = #tpu.dot_dimension_numbers<[1], [0], [0], [1], [0, 0, 1, 1], [], []>, transpose_lhs_hint = false} : vector<256x256xf32>, vector<256x1024xf32>, vector<256x1024xf32> -> vector<256x1024xf32>
    %get3A_117 = arith.constant 0 : index
    %get3A_118 = arith.constant 0 : index
    %get3A_119 = vector.load %arg2[%get3A_117, %get3A_118] : memref<256x1xf32, #tpu.memory_space<vmem>>, vector<256x1xf32>
    %mul3A = vector.broadcast %get3A_119 : vector<256x1xf32> to vector<256x1024xf32>
    %mul3A_120 = arith.mulf %mul3A, %dot_general3A_116 : vector<256x1024xf32>
    %dot_general3A_121 = arith.constant dense<0.000000e+00> : vector<8x1024xf32>
    %dot_general3A_122 = tpu.matmul %select_n3A_101, %mul3A_120, %dot_general3A_121 {dimension_numbers = #tpu.dot_dimension_numbers<[1], [0], [0], [1], [0, 0, 1, 1], [], []>, transpose_lhs_hint = false} : vector<8x256xf32>, vector<256x1024xf32>, vector<8x1024xf32> -> vector<8x1024xf32>
    %get3A_123 = arith.constant 0 : index
    %get3A_124 = arith.constant 0 : index
    %get3A_125 = vector.load %arg3[%get3A_123, %get3A_124] : memref<256x1xf32, #tpu.memory_space<vmem>>, vector<256x1xf32>
    %mul3A_126 = vector.broadcast %get3A_125 : vector<256x1xf32> to vector<256x1024xf32>
    %mul3A_127 = arith.mulf %mul3A_126, %dot_general3A_116 : vector<256x1024xf32>
    %dot_general3A_128 = arith.constant dense<0.000000e+00> : vector<8x1024xf32>
    %dot_general3A_129 = tpu.matmul %select_n3A_101, %mul3A_127, %dot_general3A_128 {dimension_numbers = #tpu.dot_dimension_numbers<[1], [0], [0], [1], [0, 0, 1, 1], [], []>, transpose_lhs_hint = false} : vector<8x256xf32>, vector<256x1024xf32>, vector<8x1024xf32> -> vector<8x1024xf32>
    %add3A = arith.addf %dot_general3A_122, %dot_general3A_129 : vector<8x1024xf32>
    %ge3A = arith.constant 0.000000e+00 : f32
    %ge3A_130 = vector.broadcast %ge3A : f32 to vector<8x1024xf32>
    %ge3A_131 = arith.cmpf oge, %add3A, %ge3A_130 : vector<8x1024xf32>
    %mul3A_132 = arith.constant 2.000000e-01 : f32
    %mul3A_133 = vector.broadcast %mul3A_132 : f32 to vector<8x1024xf32>
    %mul3A_134 = arith.mulf %mul3A_133, %add3A : vector<8x1024xf32>
    %select_n3A_135 = arith.select %ge3A_131, %add3A, %mul3A_134 : vector<8x1024xi1>, vector<8x1024xf32>
    %dot_general3A_136 = arith.constant dense<0.000000e+00> : vector<8x128xf32>
    %dot_general3A_137 = tpu.matmul %dot_general3A_122, %select_n3A, %dot_general3A_136 {dimension_numbers = #tpu.dot_dimension_numbers<[1], [0], [0], [1], [0, 0, 1, 1], [], []>, transpose_lhs_hint = false} : vector<8x1024xf32>, vector<1024x128xf32>, vector<8x128xf32> -> vector<8x128xf32>
    %dot_general3A_138 = arith.constant dense<0.000000e+00> : vector<8x128xf32>
    %dot_general3A_139 = tpu.matmul %dot_general3A_129, %select_n3A_20, %dot_general3A_138 {dimension_numbers = #tpu.dot_dimension_numbers<[1], [0], [0], [1], [0, 0, 1, 1], [], []>, transpose_lhs_hint = false} : vector<8x1024xf32>, vector<1024x128xf32>, vector<8x128xf32> -> vector<8x128xf32>
    %add3A_140 = arith.addf %dot_general3A_137, %dot_general3A_139 : vector<8x128xf32>
    %ge3A_141 = arith.constant 0.000000e+00 : f32
    %ge3A_142 = vector.broadcast %ge3A_141 : f32 to vector<8x128xf32>
    %ge3A_143 = arith.cmpf oge, %add3A_140, %ge3A_142 : vector<8x128xf32>
    %mul3A_144 = arith.constant 2.000000e-01 : f32
    %mul3A_145 = vector.broadcast %mul3A_144 : f32 to vector<8x128xf32>
    %mul3A_146 = arith.mulf %mul3A_145, %add3A_140 : vector<8x128xf32>
    %select_n3A_147 = arith.select %ge3A_143, %add3A_140, %mul3A_146 : vector<8x128xi1>, vector<8x128xf32>
    %dot_general3A_148 = arith.constant dense<0.000000e+00> : vector<8x128xf32>
    %dot_general3A_149 = tpu.matmul %select_n3A_135, %select_n3A_20, %dot_general3A_148 {dimension_numbers = #tpu.dot_dimension_numbers<[1], [0], [0], [1], [0, 0, 1, 1], [], []>, transpose_lhs_hint = false} : vector<8x1024xf32>, vector<1024x128xf32>, vector<8x128xf32> -> vector<8x128xf32>
    %sub3A_150 = arith.subf %select_n3A_147, %dot_general3A_149 : vector<8x128xf32>
    %exp3A_151 = math.exp %sub3A_150 : vector<8x128xf32>
    %mul3A_152 = vector.broadcast %get3A_7 : vector<1x128xf32> to vector<8x128xf32>
    %mul3A_153 = arith.mulf %exp3A_151, %mul3A_152 : vector<8x128xf32>
    %dot_general3A_154 = arith.constant dense<0.000000e+00> : vector<8x1024xf32>
    %dot_general3A_155 = tpu.matmul %mul3A_153, %select_n3A_29, %dot_general3A_154 {dimension_numbers = #tpu.dot_dimension_numbers<[1], [0], [0], [1], [0, 0, 1, 1], [], []>, transpose_lhs_hint = false} : vector<8x128xf32>, vector<128x1024xf32>, vector<8x1024xf32> -> vector<8x1024xf32>
    %add3A_156 = arith.constant 1.000000e+00 : f32
    %add3A_157 = vector.broadcast %add3A_156 : f32 to vector<8x1024xf32>
    %add3A_158 = arith.addf %dot_general3A_155, %add3A_157 : vector<8x1024xf32>
    %div3A_159 = arith.constant 1.000000e+00 : f32
    %div3A_160 = vector.broadcast %div3A_159 : f32 to vector<8x1024xf32>
    %div3A_161 = arith.divf %div3A_160, %add3A_158 : vector<8x1024xf32>
    %dot_general3A_162 = arith.constant dense<0.000000e+00> : vector<8x128xf32>
    %dot_general3A_163 = tpu.matmul %add3A_158, %select_n3A_20, %dot_general3A_162 {dimension_numbers = #tpu.dot_dimension_numbers<[1], [0], [0], [1], [0, 0, 1, 1], [], []>, transpose_lhs_hint = false} : vector<8x1024xf32>, vector<1024x128xf32>, vector<8x128xf32> -> vector<8x128xf32>
    %sub3A_164 = arith.constant 1.000000e+00 : f32
    %sub3A_165 = vector.broadcast %sub3A_164 : f32 to vector<1x128xf32>
    %sub3A_166 = arith.subf %sub3A_165, %get3A_7 : vector<1x128xf32>
    %add3A_167 = vector.broadcast %sub3A_166 : vector<1x128xf32> to vector<8x128xf32>
    %add3A_168 = arith.addf %dot_general3A_163, %add3A_167 : vector<8x128xf32>
    %div3A_169 = arith.divf %mul3A_153, %add3A_168 : vector<8x128xf32>
    %swap3A = arith.constant 0 : index
    %swap3A_170 = arith.constant 0 : index
    %swap3A_171 = vector.load %arg7[%swap3A, %swap3A_170] : memref<256x1024xf32, #tpu.memory_space<vmem>>, vector<256x1024xf32>
    tpu.vector_store %arg7[%swap3A, %swap3A_170], %dot_general3A_116 {strides = array<i32>} : memref<256x1024xf32, #tpu.memory_space<vmem>>, vector<256x1024xf32>,
    %dot_general3A_172 = arith.constant dense<0.000000e+00> : vector<256x1024xf32>
    %dot_general3A_173 = tpu.matmul %select_n3A_62, %div3A_161, %dot_general3A_172 {dimension_numbers = #tpu.dot_dimension_numbers<[1], [0], [0], [1], [0, 0, 1, 1], [], []>, transpose_lhs_hint = false} : vector<256x8xf32>, vector<8x1024xf32>, vector<256x1024xf32> -> vector<256x1024xf32>
    %mul3A_174 = arith.mulf %dot_general3A_173, %dot_general3A_116 : vector<256x1024xf32>
    %get3A_175 = arith.constant 0 : index
    %get3A_176 = arith.constant 0 : index
    %get3A_177 = vector.load %arg4[%get3A_175, %get3A_176] : memref<256x1xf32, #tpu.memory_space<vmem>>, vector<256x1xf32>
    %add3A_178 = vector.broadcast %get3A_177 : vector<256x1xf32> to vector<256x1024xf32>
    %add3A_179 = arith.addf %mul3A_174, %add3A_178 : vector<256x1024xf32>
    %swap3A_180 = arith.constant 0 : index
    %swap3A_181 = arith.constant 0 : index
    %swap3A_182 = vector.load %arg8[%swap3A_180, %swap3A_181] : memref<256x1024xf32, #tpu.memory_space<vmem>>, vector<256x1024xf32>
    tpu.vector_store %arg8[%swap3A_180, %swap3A_181], %add3A_179 {strides = array<i32>} : memref<256x1024xf32, #tpu.memory_space<vmem>>, vector<256x1024xf32>,
    %dot_general3A_183 = arith.constant dense<0.000000e+00> : vector<256x128xf32>
    %dot_general3A_184 = tpu.matmul %select_n3A_62, %div3A_169, %dot_general3A_183 {dimension_numbers = #tpu.dot_dimension_numbers<[1], [0], [0], [1], [0, 0, 1, 1], [], []>, transpose_lhs_hint = false} : vector<256x8xf32>, vector<8x128xf32>, vector<256x128xf32> -> vector<256x128xf32>
    %swap3A_185 = arith.constant 0 : index
    %swap3A_186 = arith.constant 0 : index
    %swap3A_187 = vector.load %arg9[%swap3A_185, %swap3A_186] : memref<256x128xf32, #tpu.memory_space<vmem>>, vector<256x128xf32>
    tpu.vector_store %arg9[%swap3A_185, %swap3A_186], %dot_general3A_184 {strides = array<i32>} : memref<256x128xf32, #tpu.memory_space<vmem>>, vector<256x128xf32>,
    return
  }
}

</mosaic_0001>

<sc_bundles>
// kernel: kernel.12.cloned.1.call-start
scs
__scs_entry_jumppad:
0x0: {  	(pc) =	sbr.rel $0x88, $3  }
0x1: {  	(tag) =	ssettag $0x0;
	lr =	simm.s32 $0x1  }
0x2: {  	[smem:$0x3F8B] =	sst lr;
	_ =	strace $0xD0000000  }
0x3: {  	_ = 	snop  }
0x4: {  	_ = 	snop  }
0x5: {  	_ = 	snop  }
0x6: {  	_ = 	snop  }
0x7: {  	_ = 	snop  }
__scs_overlays_trampoline_lowered:
0x8: {  	[smem:$0x3F9A] =	sst s0  }
0x9: {  	[smem:$0x3F9B] =	sst s1  }
0xa: {  	[smem:$0x3F9C] =	sst s2  }
0xb: {  	[smem:$0x3F9D] =	sst s3  }
0xc: {  	[smem:$0x3F9E] =	sst s4  }
0xd: {  	[smem:$0x3F9F] =	sst s5  }
0xe: {  	[smem:$0x3FA0] =	sst s6  }
0xf: {  	[smem:$0x3FA1] =	sst s7  }
0x10: {  	[smem:$0x3FA2] =	sst s8  }
0x11: {  	[smem:$0x3FA3] =	sst s9;
	s0 =	simm.s32 @!p0 $0x0  }
0x12: {  	s1 =	sld [smem:$0x3F89];
	s0 =	simm.s32 @p0 $0x1  }
0x13: {  	[smem:$0x3FA4] =	sst s0;
	s0 =	simm.s32 @!p1 $0x0  }
0x14: {  	s2 =	sld [smem:$0x3F88];
	s0 =	simm.s32 @p1 $0x1  }
0x15: {  	[smem:$0x3FA5] =	sst s0;
	s0 =	simm.s32 @!p2 $0x0  }
0x16: {  	s3 =	sld [smem:$0x3FDB];
	s0 =	simm.s32 @p2 $0x1  }
0x17: {  	s4 =	simm.s32 $0x1BF5;
	[smem:$0x3FA7] =	sst s0  }
0x18: {  	s0 =	sld [smem:$0x3F8A];
	_ =	swait.ge [sflag:s4], $0x0  }
0x19: {  	s7 =	sld [smem:$0x3F8B]  }
0x1a: {  	s8 =	sadd.s32 $0xFFFFE003, lr  }
0x1b: {  	s9 =	sadd.s32 $0xFFFFFEF7, lr;
	s5 =	simm.s32 $0xFFFFFFFF;
	p2 =	slt.u32 s8, $0xFFFFF086  }
0x1c: {  	p1 =	slt.u32 s9, $0xF7A;
	s5 =	simm.s32 @!p2 $0x0  }
0x1d: {  	s5 =	simm.s32 @p1 $0x1;
	p0 =	seq.s32 s7, s2  }
0x1e: {  	s7 =	smul.u32 @!p0 $0xF7A, s2;
	p2 =	seq.s32 @!p0 s5, $0x0  }
0x1f: {  	s9 =	smul.u32 $0xF7A, s1;
	s8 =	simm.s32 @!p0 $0x1BF5;
	p2 =	por !p2, p0  }
0x20: {  	[sflag:s8] =	ssyncset.s32 @!p0 $0xFFFFF086;
	s6 =	sadd.s32 @!p0 s3, s7;
	s7 =	simm.s32 @!p0 $0x108  }
0x21: {  	s3 =	sadd.s32 s3, s9;
	s6 =	sadd.s32 @!p0 $0x88, s6;
	s7 =	simm.s32 @p2 $0x1082  }
0x22: {  	[simem:s7], [sflag:s8] =	dma.local @!p0 [hbm:s6], $0xF7A  }
0x23: {  	s9 =	sor.u32 $0xD0000000, s2;
	s6 =	simm.s32 $0x108;
	_ =	swait.ge @!p0 [sflag:s8], $0x0  }
0x24: {  	s3 =	sadd.s32 $0x88, s3;
	s6 =	simm.s32 @!p1 $0x1082;
	[sflag:s4] =	ssyncset.s32 $0xFFFFF086  }
0x25: {  	[simem:s6], [sflag:s4] =	dma.local [hbm:s3], $0xF7A  }
0x26: {  	[smem:$0x3F8B] =	sst s1;
	(tag) =	ssettag s2;
	_ =	strace s9  }
0x27: {  	s1 =	sld [smem:$0x3F9B]  }
0x28: {  	s2 =	sld [smem:$0x3F9C]  }
0x29: {  	s4 =	sld [smem:$0x3F9E]  }
0x2a: {  	p0 =	seq.s32 s5, $0x0;
	s5 =	sld [smem:$0x3F9F]  }
0x2b: {  	s6 =	sld [smem:$0x3FA0]  }
0x2c: {  	s7 =	sld [smem:$0x3FA1]  }
0x2d: {  	s3 =	simm.s32 $0x108;
	s8 =	sld [smem:$0x3FA2]  }
0x2e: {  	s3 =	simm.s32 @!p0 $0x1082;
	s9 =	sld [smem:$0x3FA3]  }
0x2f: {  	lr =	sadd.s32 s0, s3;
	s0 =	sld [smem:$0x3F9A]  }
0x30: {  	s3 =	sld [smem:$0x3F9D]  }
0x31: {  	[smem:$0x3FA6] =	sst s10  }
0x32: {  	s10 =	sld [smem:$0x3FA4];
	_ =	sdelay $0x3  }
0x33: {  	p0 =	seq.s32 s10, $0x1;
	s10 =	sld [smem:$0x3FA6];
	_ =	sdelay $0x3  }
0x34: {  	[smem:$0x3FA6] =	sst s10  }
0x35: {  	s10 =	sld [smem:$0x3FA5];
	_ =	sdelay $0x3  }
0x36: {  	p1 =	seq.s32 s10, $0x1;
	s10 =	sld [smem:$0x3FA6];
	_ =	sdelay $0x3  }
0x37: {  	[smem:$0x3FA6] =	sst s10  }
0x38: {  	s10 =	sld [smem:$0x3FA7]  }
0x39: {  	_ = 	snop;
	(pc) =	sbr.ind lr, $3  }
0x3a: {  	_ = 	snop  }
0x3b: {  	_ = 	snop  }
0x3c: {  	p2 =	seq.s32 s10, $0x1;
	s10 =	sld [smem:$0x3FA6]  }
0x3d: {  	_ =	shalt  }
0x3e: {  	_ =	shalt  }
0x3f: {  	_ =	shalt  }
0x40: {  	_ =	shalt  }
0x41: {  	_ =	shalt  }
0x42: {  	_ =	shalt  }
0x43: {  	_ =	shalt  }
0x44: {  	_ =	shalt  }
0x45: {  	_ =	shalt  }
0x46: {  	_ =	shalt  }
0x47: {  	_ =	shalt  }
0x48: {  	_ =	shalt  }
0x49: {  	_ =	shalt  }
0x4a: {  	_ =	shalt  }
0x4b: {  	_ =	shalt  }
0x4c: {  	_ =	shalt  }
0x4d: {  	_ =	shalt  }
0x4e: {  	_ =	shalt  }
0x4f: {  	_ =	shalt  }
0x50: {  	_ =	shalt  }
0x51: {  	_ =	shalt  }
0x52: {  	_ =	shalt  }
0x53: {  	_ =	shalt  }
0x54: {  	_ =	shalt  }
0x55: {  	_ =	shalt  }
0x56: {  	_ =	shalt  }
0x57: {  	_ =	shalt  }
0x58: {  	_ =	shalt  }
0x59: {  	_ =	shalt  }
0x5a: {  	_ =	shalt  }
0x5b: {  	_ =	shalt  }
0x5c: {  	_ =	shalt  }
0x5d: {  	_ =	shalt  }
0x5e: {  	_ =	shalt  }
0x5f: {  	_ =	shalt  }
0x60: {  	_ =	shalt  }
0x61: {  	_ =	shalt  }
0x62: {  	_ =	shalt  }
0x63: {  	_ =	shalt  }
0x64: {  	_ =	shalt  }
0x65: {  	_ =	shalt  }
0x66: {  	_ =	shalt  }
0x67: {  	_ =	shalt  }
0x68: {  	_ =	shalt  }
0x69: {  	_ =	shalt  }
0x6a: {  	_ =	shalt  }
0x6b: {  	_ =	shalt  }
0x6c: {  	_ =	shalt  }
0x6d: {  	_ =	shalt  }
0x6e: {  	_ =	shalt  }
0x6f: {  	_ =	shalt  }
0x70: {  	_ =	shalt  }
0x71: {  	_ =	shalt  }
0x72: {  	_ =	shalt  }
0x73: {  	_ =	shalt  }
0x74: {  	_ =	shalt  }
0x75: {  	_ =	shalt  }
0x76: {  	_ =	shalt  }
0x77: {  	_ =	shalt  }
0x78: {  	_ =	shalt  }
0x79: {  	_ =	shalt  }
0x7a: {  	_ =	shalt  }
0x7b: {  	_ =	shalt  }
0x7c: {  	_ =	shalt  }
0x7d: {  	_ =	shalt  }
0x7e: {  	_ =	shalt  }
0x7f: {  	_ =	shalt  }
0x80: {  	_ =	shalt  }
0x81: {  	_ =	shalt  }
0x82: {  	_ =	shalt  }
0x83: {  	_ =	shalt  }
0x84: {  	_ =	shalt  }
0x85: {  	_ =	shalt  }
0x86: {  	_ =	shalt  }
0x87: {  	_ =	shalt  }
.Lfunc_end0:
.L_simem_size_0:
called_computation_lowered:
.L_overlay_start_0:
0x88: {  	s2 =	sld [smem:$0x3FD9]  }
0x89: {  	s3 =	sld [smem:$0x3FFE];
	_ =	sdelay $0x1  }
0x8a: {  	s1 =	srdreg.scid  }
0x8b: {  	s0 =	sand.u32 $0x1, s1  }
0x8c: {  	s17 =	sshll.u32 s0, $0xA;
	s2 =	sadd.s32 s3, s2  }
0x8d: {  	s2 =	sadd.s32 s2, s17  }
0x8e: {  	[smem:$0x3FB2] =	sst s2  }
0x8f: {  	_ = 	snop  }
0x90: {  	s2 =	sld [smem:$0x3FD0];
	(tm) =	ssettm $0x1  }
0x91: {  	s18 =	sld [smem:$0x3FFB];
	_ =	sdelay $0x3  }
0x92: {  	_ =	strace s18  }
0x93: {  	s3 =	sld [smem:$0x3FFC];
	_ =	sdelay $0x3  }
0x94: {  	_ =	strace s3  }
0x95: {  	s3 =	sld [smem:$0x3FFD];
	_ =	sdelay $0x3  }
0x96: {  	_ =	strace s3  }
0x97: {  	_ =	strace $0x8FFFFFFF  }
0x98: {  	s19 =	sld [smem:$0x3FDB];
	_ =	sdelay $0x1  }
0x99: {  	s4 =	simm.s32 $_scs_section_size  }
0x9a: {  	s5 =	simm.s32 $_size__tile_overlayer_lowered;
	s6 =	simm.s32 $_tile_overlayer_lowered  }
0x9b: {  	s22 =	simm.s32 $0x1BFF;
	s21 =	sshll.u32 s6, $0x1;
	s3 =	sadd.s32 s4, s19  }
0x9c: {  	s7 =	simm.s32 $0x0;
	s20 =	sshll.u32 s5, $0x1;
	s5 =	sadd.s32 s21, s3  }
0x9d: {  	[timem:s7], [sflag:s22] =	dma.local [hbm:s5], s20  }
0x9e: {  	_ =	swait.ge [sflag:s22], s20  }
0x9f: {  	s4 =	ssub.s32 $0x0, s20;
	[sflag:s22] =	ssyncset.done $0x0  }
0xa0: {  	[sflag:s22] =	ssyncadd.s32 s4;
	_ =	sdelay $0x1  }
0xa1: {  	s23 =	simm.s32 $0x1B8B  }
0xa2: {  	_ =	swait.ge [sflag:s23], $0x1  }
0xa3: {  	[sflag:s23] =	ssyncset.done $0x0  }
0xa4: {  	s25 =	simm.s32 $0x1B8E;
	s24 =	sld [smem:$0x3FFE];
	[sflag:s23] =	ssyncadd.s32 $0xFFFFFFFF  }
0xa5: {  	s26 =	simm.s32 $execute0_lowered;
	[smem:$0x3FD2] =	sst s25  }
0xa6: {  	s5 =	sshll.u32 s26, $0x1;
	_ =	strace $0x80000046;
	[dreg:$0x1] =	wrdreg $0xFFFFFFFF  }
0xa7: {  	s28 =	simm.s32 $_size_execute0_lowered;
	s3 =	sadd.s32 s3, s5;
	[dreg:$0x0] =	wrdreg $0x0  }
0xa8: {  	s5 =	sshll.u32 s28, $0x1;
	[dreg:$0x2] =	wrdreg s3  }
0xa9: {  	[dreg:$0x3] =	wrdreg s5  }
0xaa: {  	[dreg:$0x4] =	wrdreg $0xC0  }
0xab: {  	_ =	task [dreg:s7], $0x5FFFF  }
0xac: {  	[dreg:$0x1] =	wrdreg $0xFFFFFFFF  }
0xad: {  	[dreg:$0x0] =	wrdreg $0x60  }
0xae: {  	[dreg:$0x2] =	wrdreg s24  }
0xaf: {  	[dreg:$0x3] =	wrdreg s2  }
0xb0: {  	[dreg:$0x4] =	wrdreg $0x9  }
0xb1: {  	_ =	task.clear_ibuf [dreg:s7], $0x5FFFF;
	_ =	strace $0x90000046  }
0xb2: {  	s29 =	simm.s32 $0x9;
	_ =	strace $0x80000048  }
0xb3: {  	_ =	swait.ge [sflag:s29], $0x1  }
0xb4: {  	[sflag:s29] =	ssyncadd.s32 $0xFFFFFFFF  }
0xb5: {  	_ =	strace $0x90000048  }
0xb6: {  	_ =	sfence  }
0xb7: {  	s30 =	sld [smem:$0x0];
	_ =	sdelay $0x2  }
0xb8: {  	s31 =	sshll.u32 s1, $0xD;
	s1 =	sshrl.u32 s1, $0x2  }
0xb9: {  	s3 =	sand.u32 $0x4000, s31;
	s1 =	sadd.s32 s1, s30  }
0xba: {  	s0 =	sor.u32 s3, s0;
	s1 =	sshll.u32 s1, $0x11  }
0xbb: {  	s0 =	sor.u32 s1, s0  }
0xbc: {  	s0 =	sadd.s32 $0x8F2B, s0  }
0xbd: {  	[sflag:s0] =	ssyncadd.remote.s32 $0x1  }
0xbe: {  	_ =	sfence.sel $0xFFFF  }
0xbf: {  	[dreg:$0x0] =	wrdreg $0xFFFFFFFF;
	(pc) =	sbr.abs _section_cstart, $3  }
0xc0: {  	[dreg:$0x1] =	wrdreg $0xFFFFFFFF  }
0xc1: {  	_ =	task.clear_ibuf [dreg:s7], $0x2FFFF;
	_ =	strace $0x9FFFFFFF  }
0xc2: {  	(tm) =	ssettm $0x7FFFFFFF  }
0xc3: {  	_ =	shalt  }
tec
execute0_lowered:
.L_overlay_start_1:
0x0: {  	(tag) =	ssettag $0x1  }
0x1: {  	s1 =	srdreg.scid  }
0x2: {  	s1 =	sand.u32 $0x1, s1  }
0x3: {  	p0 =	seq.s32 s1, $0x1  }
.Ltmp0:
0x4: {  	_ = 	snop;
	(pc) =	sbr.rel @p0 .LBB2_4-.Ltmp0, $4  }
0x5: {  	s7 =	rddreg [dreg:$0x0]  }
0x6: {  	s4 =	rddreg [dreg:$0x1];
	s2 =	simm.s32 $0x0  }
0x7: {  	[smem:$0x7FF] =	sst s2  }
0x8: {  	s0 =	rddreg [dreg:$0x2];
	_ =	strace $0x80000047;
	s1 =	stileid.u32  }
0x9: {  	s3 =	sadd.s32 $0xC400, s7;
	s8 =	sshll.u32 s1, $0xB  }
0xa: {  	s5 =	sadd.s32 $0x4400, s7;
	s3 =	sadd.s32 s3, s8  }
0xb: {  	[tilespmem:s2], [sflag:$0x1] =	stream.linear.gather [hbm4b:s3+s2], $0x4000, $0x38;
	[tilespmem:$0x8900] =	vst v63  }
0xc: {  	s6 =	sshll.u32 s1, $0x8;
	s5 =	sadd.s32 s5, s8;
	s3 =	simm.s32 $0x4000  }
0xd: {  	[tilespmem:s3], [sflag:$0x1] =	stream.linear.gather [hbm4b:s5+s2], $0x4000, $0x38;
	[tilespmem:$0x8900] =	vst v63  }
0xe: {  	s28 =	sadd.s32 s4, s6;
	s4 =	simm.s32 $0x8000  }
0xf: {  	[tilespmem:s4], [sflag:$0x1] =	stream.linear.gather [hbm4b:s28+s2], $0x800, $0x38;
	[tilespmem:$0x8900] =	vst v63  }
0x10: {  	s29 =	sadd.s32 $0x14400, s7;
	s5 =	simm.s32 $0x8800  }
0x11: {  	[tilespmem:s5], [sflag:$0x1] =	stream.linear.gather [hbm4b:s29+s2], $0x80, $0x38;
	[tilespmem:$0x8900] =	vst v63  }
0x12: {  	s9 =	sadd.s32 $0x14600, s7;
	s30 =	simm.s32 $0x1;
	s6 =	simm.s32 $0x8880  }
0x13: {  	[tilespmem:s6], [sflag:$0x1] =	stream.linear.gather [hbm4b:s9+s2], $0x80, $0x38;
	[tilespmem:$0x8900] =	vst v63  }
0x14: {  	_ =	swait.ge [sflag:s30], $0x4000  }
0x15: {  	[sflag:s30] =	ssyncset.done $0x0  }
0x16: {  	[sflag:s30] =	ssyncadd.s32 $0xFFFFC000  }
0x17: {  	_ =	swait.ge [sflag:s30], $0x4000  }
0x18: {  	[sflag:s30] =	ssyncset.done $0x0  }
0x19: {  	[sflag:s30] =	ssyncadd.s32 $0xFFFFC000  }
0x1a: {  	_ =	swait.ge [sflag:s30], $0x800  }
0x1b: {  	[sflag:s30] =	ssyncset.done $0x0  }
0x1c: {  	[sflag:s30] =	ssyncadd.s32 $0xFFFFF800  }
0x1d: {  	_ =	swait.ge [sflag:s30], $0x80  }
0x1e: {  	[sflag:s30] =	ssyncset.done $0x0  }
0x1f: {  	[sflag:s30] =	ssyncadd.s32 $0xFFFFFF80  }
0x20: {  	_ =	swait.ge [sflag:s30], $0x80  }
0x21: {  	v1 =	vlaneseq.u32;
	s31 =	sadd.s32 s8, s7;
	[sflag:s30] =	ssyncset.done $0x0  }
0x22: {  	v0 =	vmul.u32 $0x80, v1;
	v1 =	vmul.u32 $0x400, v1;
	s8 =	simm.s32 $0x0;
	s7 =	sadd.s32 $0x14800, s31;
	[sflag:s30] =	ssyncadd.s32 $0xFFFFFF80  }
.LBB2_2:
0x23: {  	v2 =	vmov s8;
	_ =	sdelay $0x4  }
0x24: {  	v3 =	vld.idx.msk [tilespmem:v2+s5+$0x0], $0xffff;
	_ =	sdelay $0x3  }
0x25: {  	v4 =	vor.u32 s8, v0  }
0x26: {  	v3 =	vadd.s32 v1, v3;
	_ =	sdelay $0x1  }
0x27: {  	v2 =	vld.idx.msk [tilespmem:v2+s6+$0x0], $0xffff;
	_ =	sdelay $0x1  }
0x28: {  	v4 =	vld.idx.msk [tilespmem:v4+s4+$0x0], $0xffff  }
0x29: {  	v3 =	vld.idx.msk [tilespmem:v3+s3+$0x0], $0xffff;
	_ =	sdelay $0x1  }
0x2a: {  	s9 =	sadd.s32 $0x1, s8;
	v2 =	vadd.s32 v1, v2  }
0x2b: {  	v5 =	vmov s9;
	_ =	sdelay $0x1  }
0x2c: {  	v3 =	vmul.f32 v3, v4;
	_ =	sdelay $0x1  }
0x2d: {  	[tilespmem:v2+s2+$0x0] =	vst.idx.add.f32.msk $0xffff, v3  }
0x2e: {  	v2 =	vld.idx.msk [tilespmem:v5+s5+$0x0], $0xffff;
	_ =	sdelay $0x3  }
0x2f: {  	v3 =	vor.u32 s9, v0  }
0x30: {  	v2 =	vadd.s32 v1, v2;
	_ =	sdelay $0x1  }
0x31: {  	v63 =	vld.idx.msk [tilespmem:v5+s6+$0x0], $0xffff;
	_ =	sdelay $0x1  }
0x32: {  	v3 =	vld.idx.msk [tilespmem:v3+s4+$0x0], $0xffff  }
0x33: {  	v2 =	vld.idx.msk [tilespmem:v2+s3+$0x0], $0xffff;
	_ =	sdelay $0x1  }
0x34: {  	p0 =	sne.s32 s8, $0x7E;
	v4 =	vadd.s32 v1, v63  }
.Ltmp1:
0x35: {  	_ = 	snop;
	(pc) =	sbr.rel @p0 .LBB2_2-.Ltmp1, $3  }
0x36: {  	_ = 	snop  }
0x37: {  	v2 =	vmul.f32 v2, v3;
	_ =	sdelay $0x1  }
0x38: {  	s8 =	sadd.s32 $0x2, s8;
	[tilespmem:v4+s2+$0x0] =	vst.idx.add.f32.msk $0xffff, v2  }
0x39: {  	s2 =	simm.s32 $0x0;
	s31 =	simm.s32 $0x2  }
0x3a: {  	[hbm4b:s7+s2] =	stream.linear.scatter [tilespmem:s2], [sflag:$0x2], $0x4000, $0x38;
	[tilespmem:$0x8900] =	vst v63  }
0x3b: {  	_ =	swait.ge [sflag:s31], $0x4000  }
0x3c: {  	[sflag:s31] =	ssyncset.done $0x0  }
0x3d: {  	[sflag:s31] =	ssyncadd.s32 $0xFFFFC000  }
.LBB2_4:
0x3e: {  	_ =	sfence.sel $0x180000  }
0x3f: {  	[bflag:$0x0] =	sbarrier.arrive $0xFFFF  }
0x40: {  	p0 =	sne.s32 s1, $0x0;
	_ =	strace $0x90000047  }
0x41: {  	s0 =	sadd.s32 @!p0 $0x100000, s0;
	[bflag:$0x2] =	sbarrier.arrive $0xFFFF  }
0x42: {  	[sflag:s0] =	ssyncadd.tile.s32 @!p0 $0x1;
	_ =	shalt  }
.Lfunc_end2:
_tile_overlayer_lowered:
.L_overlay_start_2:
0x43: {  	(tag) =	ssettag $0x2  }
0x44: {  	s0 =	rddreg [dreg:$0x0];
	s2 =	stileid.u32  }
0x45: {  	s1 =	rddreg [dreg:$0x1];
	p0 =	sne.s32 s2, $0x0  }
0x46: {  	s3 =	rddreg [dreg:$0x2];
	[bflag:$0x3] =	sbarrier.arrive $0xFFFF;
	s2 =	simm.s32 @!p0 $0x1C02  }
0x47: {  	[timem:s3], [sflag:s2] =	dma.local @!p0 [hbm:s0], s1  }
0x48: {  	s0 =	simm.s32 @!p0 $0x2  }
0x49: {  	_ =	swait.ge @!p0 [sflag:s0], s1  }
0x4a: {  	s1 =	ssub.s32 @!p0 $0x0, s1;
	[sflag:s0] =	ssyncset.done @!p0 $0x0  }
0x4b: {  	[sflag:s0] =	ssyncadd.s32 @!p0 s1  }
0x4c: {  	[bflag:$0x3] =	sbarrier.arrive $0xFFFF  }
0x4d: {  	_ =	shalt  }

// kernel: kernel.15.cloned.1.call-start
scs
__scs_entry_jumppad:
0x0: {  	(pc) =	sbr.rel $0x88, $3  }
0x1: {  	(tag) =	ssettag $0x0;
	lr =	simm.s32 $0x1  }
0x2: {  	[smem:$0x3F8B] =	sst lr;
	_ =	strace $0xD0000000  }
0x3: {  	_ = 	snop  }
0x4: {  	_ = 	snop  }
0x5: {  	_ = 	snop  }
0x6: {  	_ = 	snop  }
0x7: {  	_ = 	snop  }
__scs_overlays_trampoline_lowered:
0x8: {  	[smem:$0x3F9A] =	sst s0  }
0x9: {  	[smem:$0x3F9B] =	sst s1  }
0xa: {  	[smem:$0x3F9C] =	sst s2  }
0xb: {  	[smem:$0x3F9D] =	sst s3  }
0xc: {  	[smem:$0x3F9E] =	sst s4  }
0xd: {  	[smem:$0x3F9F] =	sst s5  }
0xe: {  	[smem:$0x3FA0] =	sst s6  }
0xf: {  	[smem:$0x3FA1] =	sst s7  }
0x10: {  	[smem:$0x3FA2] =	sst s8  }
0x11: {  	[smem:$0x3FA3] =	sst s9;
	s0 =	simm.s32 @!p0 $0x0  }
0x12: {  	s1 =	sld [smem:$0x3F89];
	s0 =	simm.s32 @p0 $0x1  }
0x13: {  	[smem:$0x3FA4] =	sst s0;
	s0 =	simm.s32 @!p1 $0x0  }
0x14: {  	s2 =	sld [smem:$0x3F88];
	s0 =	simm.s32 @p1 $0x1  }
0x15: {  	[smem:$0x3FA5] =	sst s0;
	s0 =	simm.s32 @!p2 $0x0  }
0x16: {  	s3 =	sld [smem:$0x3FDB];
	s0 =	simm.s32 @p2 $0x1  }
0x17: {  	s4 =	simm.s32 $0x1BF5;
	[smem:$0x3FA7] =	sst s0  }
0x18: {  	s0 =	sld [smem:$0x3F8A];
	_ =	swait.ge [sflag:s4], $0x0  }
0x19: {  	s7 =	sld [smem:$0x3F8B]  }
0x1a: {  	s8 =	sadd.s32 $0xFFFFE003, lr  }
0x1b: {  	s9 =	sadd.s32 $0xFFFFFEF7, lr;
	s5 =	simm.s32 $0xFFFFFFFF;
	p2 =	slt.u32 s8, $0xFFFFF086  }
0x1c: {  	p1 =	slt.u32 s9, $0xF7A;
	s5 =	simm.s32 @!p2 $0x0  }
0x1d: {  	s5 =	simm.s32 @p1 $0x1;
	p0 =	seq.s32 s7, s2  }
0x1e: {  	s7 =	smul.u32 @!p0 $0xF7A, s2;
	p2 =	seq.s32 @!p0 s5, $0x0  }
0x1f: {  	s9 =	smul.u32 $0xF7A, s1;
	s8 =	simm.s32 @!p0 $0x1BF5;
	p2 =	por !p2, p0  }
0x20: {  	[sflag:s8] =	ssyncset.s32 @!p0 $0xFFFFF086;
	s6 =	sadd.s32 @!p0 s3, s7;
	s7 =	simm.s32 @!p0 $0x108  }
0x21: {  	s3 =	sadd.s32 s3, s9;
	s6 =	sadd.s32 @!p0 $0x88, s6;
	s7 =	simm.s32 @p2 $0x1082  }
0x22: {  	[simem:s7], [sflag:s8] =	dma.local @!p0 [hbm:s6], $0xF7A  }
0x23: {  	s9 =	sor.u32 $0xD0000000, s2;
	s6 =	simm.s32 $0x108;
	_ =	swait.ge @!p0 [sflag:s8], $0x0  }
0x24: {  	s3 =	sadd.s32 $0x88, s3;
	s6 =	simm.s32 @!p1 $0x1082;
	[sflag:s4] =	ssyncset.s32 $0xFFFFF086  }
0x25: {  	[simem:s6], [sflag:s4] =	dma.local [hbm:s3], $0xF7A  }
0x26: {  	[smem:$0x3F8B] =	sst s1;
	(tag) =	ssettag s2;
	_ =	strace s9  }
0x27: {  	s1 =	sld [smem:$0x3F9B]  }
0x28: {  	s2 =	sld [smem:$0x3F9C]  }
0x29: {  	s4 =	sld [smem:$0x3F9E]  }
0x2a: {  	p0 =	seq.s32 s5, $0x0;
	s5 =	sld [smem:$0x3F9F]  }
0x2b: {  	s6 =	sld [smem:$0x3FA0]  }
0x2c: {  	s7 =	sld [smem:$0x3FA1]  }
0x2d: {  	s3 =	simm.s32 $0x108;
	s8 =	sld [smem:$0x3FA2]  }
0x2e: {  	s3 =	simm.s32 @!p0 $0x1082;
	s9 =	sld [smem:$0x3FA3]  }
0x2f: {  	lr =	sadd.s32 s0, s3;
	s0 =	sld [smem:$0x3F9A]  }
0x30: {  	s3 =	sld [smem:$0x3F9D]  }
0x31: {  	[smem:$0x3FA6] =	sst s10  }
0x32: {  	s10 =	sld [smem:$0x3FA4];
	_ =	sdelay $0x3  }
0x33: {  	p0 =	seq.s32 s10, $0x1;
	s10 =	sld [smem:$0x3FA6];
	_ =	sdelay $0x3  }
0x34: {  	[smem:$0x3FA6] =	sst s10  }
0x35: {  	s10 =	sld [smem:$0x3FA5];
	_ =	sdelay $0x3  }
0x36: {  	p1 =	seq.s32 s10, $0x1;
	s10 =	sld [smem:$0x3FA6];
	_ =	sdelay $0x3  }
0x37: {  	[smem:$0x3FA6] =	sst s10  }
0x38: {  	s10 =	sld [smem:$0x3FA7]  }
0x39: {  	_ = 	snop;
	(pc) =	sbr.ind lr, $3  }
0x3a: {  	_ = 	snop  }
0x3b: {  	_ = 	snop  }
0x3c: {  	p2 =	seq.s32 s10, $0x1;
	s10 =	sld [smem:$0x3FA6]  }
0x3d: {  	_ =	shalt  }
0x3e: {  	_ =	shalt  }
0x3f: {  	_ =	shalt  }
0x40: {  	_ =	shalt  }
0x41: {  	_ =	shalt  }
0x42: {  	_ =	shalt  }
0x43: {  	_ =	shalt  }
0x44: {  	_ =	shalt  }
0x45: {  	_ =	shalt  }
0x46: {  	_ =	shalt  }
0x47: {  	_ =	shalt  }
0x48: {  	_ =	shalt  }
0x49: {  	_ =	shalt  }
0x4a: {  	_ =	shalt  }
0x4b: {  	_ =	shalt  }
0x4c: {  	_ =	shalt  }
0x4d: {  	_ =	shalt  }
0x4e: {  	_ =	shalt  }
0x4f: {  	_ =	shalt  }
0x50: {  	_ =	shalt  }
0x51: {  	_ =	shalt  }
0x52: {  	_ =	shalt  }
0x53: {  	_ =	shalt  }
0x54: {  	_ =	shalt  }
0x55: {  	_ =	shalt  }
0x56: {  	_ =	shalt  }
0x57: {  	_ =	shalt  }
0x58: {  	_ =	shalt  }
0x59: {  	_ =	shalt  }
0x5a: {  	_ =	shalt  }
0x5b: {  	_ =	shalt  }
0x5c: {  	_ =	shalt  }
0x5d: {  	_ =	shalt  }
0x5e: {  	_ =	shalt  }
0x5f: {  	_ =	shalt  }
0x60: {  	_ =	shalt  }
0x61: {  	_ =	shalt  }
0x62: {  	_ =	shalt  }
0x63: {  	_ =	shalt  }
0x64: {  	_ =	shalt  }
0x65: {  	_ =	shalt  }
0x66: {  	_ =	shalt  }
0x67: {  	_ =	shalt  }
0x68: {  	_ =	shalt  }
0x69: {  	_ =	shalt  }
0x6a: {  	_ =	shalt  }
0x6b: {  	_ =	shalt  }
0x6c: {  	_ =	shalt  }
0x6d: {  	_ =	shalt  }
0x6e: {  	_ =	shalt  }
0x6f: {  	_ =	shalt  }
0x70: {  	_ =	shalt  }
0x71: {  	_ =	shalt  }
0x72: {  	_ =	shalt  }
0x73: {  	_ =	shalt  }
0x74: {  	_ =	shalt  }
0x75: {  	_ =	shalt  }
0x76: {  	_ =	shalt  }
0x77: {  	_ =	shalt  }
0x78: {  	_ =	shalt  }
0x79: {  	_ =	shalt  }
0x7a: {  	_ =	shalt  }
0x7b: {  	_ =	shalt  }
0x7c: {  	_ =	shalt  }
0x7d: {  	_ =	shalt  }
0x7e: {  	_ =	shalt  }
0x7f: {  	_ =	shalt  }
0x80: {  	_ =	shalt  }
0x81: {  	_ =	shalt  }
0x82: {  	_ =	shalt  }
0x83: {  	_ =	shalt  }
0x84: {  	_ =	shalt  }
0x85: {  	_ =	shalt  }
0x86: {  	_ =	shalt  }
0x87: {  	_ =	shalt  }
.Lfunc_end0:
.L_simem_size_0:
called_computation.1_lowered:
.L_overlay_start_0:
0x88: {  	s2 =	sld [smem:$0x3FD9]  }
0x89: {  	s3 =	sld [smem:$0x3FFE];
	_ =	sdelay $0x1  }
0x8a: {  	s1 =	srdreg.scid  }
0x8b: {  	s0 =	sand.u32 $0x1, s1  }
0x8c: {  	s17 =	sshll.u32 s0, $0xA;
	s2 =	sadd.s32 s3, s2  }
0x8d: {  	s2 =	sadd.s32 s2, s17  }
0x8e: {  	[smem:$0x3FB2] =	sst s2  }
0x8f: {  	_ = 	snop  }
0x90: {  	s2 =	sld [smem:$0x3FD0];
	(tm) =	ssettm $0x1  }
0x91: {  	s18 =	sld [smem:$0x3FFB];
	_ =	sdelay $0x3  }
0x92: {  	_ =	strace s18  }
0x93: {  	s3 =	sld [smem:$0x3FFC];
	_ =	sdelay $0x3  }
0x94: {  	_ =	strace s3  }
0x95: {  	s3 =	sld [smem:$0x3FFD];
	_ =	sdelay $0x3  }
0x96: {  	_ =	strace s3  }
0x97: {  	_ =	strace $0x8FFFFFFF  }
0x98: {  	s19 =	sld [smem:$0x3FDB];
	_ =	sdelay $0x1  }
0x99: {  	s4 =	simm.s32 $_scs_section_size  }
0x9a: {  	s5 =	simm.s32 $_size__tile_overlayer_lowered;
	s6 =	simm.s32 $_tile_overlayer_lowered  }
0x9b: {  	s22 =	simm.s32 $0x1BFF;
	s21 =	sshll.u32 s6, $0x1;
	s3 =	sadd.s32 s4, s19  }
0x9c: {  	s7 =	simm.s32 $0x0;
	s20 =	sshll.u32 s5, $0x1;
	s5 =	sadd.s32 s21, s3  }
0x9d: {  	[timem:s7], [sflag:s22] =	dma.local [hbm:s5], s20  }
0x9e: {  	_ =	swait.ge [sflag:s22], s20  }
0x9f: {  	s4 =	ssub.s32 $0x0, s20;
	[sflag:s22] =	ssyncset.done $0x0  }
0xa0: {  	[sflag:s22] =	ssyncadd.s32 s4;
	_ =	sdelay $0x1  }
0xa1: {  	s23 =	simm.s32 $0x1B8B  }
0xa2: {  	_ =	swait.ge [sflag:s23], $0x1  }
0xa3: {  	[sflag:s23] =	ssyncset.done $0x0  }
0xa4: {  	s25 =	simm.s32 $0x1B8E;
	s24 =	sld [smem:$0x3FFE];
	[sflag:s23] =	ssyncadd.s32 $0xFFFFFFFF  }
0xa5: {  	s26 =	simm.s32 $execute0_lowered;
	[smem:$0x3FD2] =	sst s25  }
0xa6: {  	s5 =	sshll.u32 s26, $0x1;
	_ =	strace $0x80000049;
	[dreg:$0x1] =	wrdreg $0xFFFFFFFF  }
0xa7: {  	s28 =	simm.s32 $_size_execute0_lowered;
	s3 =	sadd.s32 s3, s5;
	[dreg:$0x0] =	wrdreg $0x0  }
0xa8: {  	s5 =	sshll.u32 s28, $0x1;
	[dreg:$0x2] =	wrdreg s3  }
0xa9: {  	[dreg:$0x3] =	wrdreg s5  }
0xaa: {  	[dreg:$0x4] =	wrdreg $0xC0  }
0xab: {  	_ =	task [dreg:s7], $0x5FFFF  }
0xac: {  	[dreg:$0x1] =	wrdreg $0xFFFFFFFF  }
0xad: {  	[dreg:$0x0] =	wrdreg $0x60  }
0xae: {  	[dreg:$0x2] =	wrdreg s24  }
0xaf: {  	[dreg:$0x3] =	wrdreg s2  }
0xb0: {  	[dreg:$0x4] =	wrdreg $0x9  }
0xb1: {  	_ =	task.clear_ibuf [dreg:s7], $0x5FFFF;
	_ =	strace $0x90000049  }
0xb2: {  	s29 =	simm.s32 $0x9;
	_ =	strace $0x8000004B  }
0xb3: {  	_ =	swait.ge [sflag:s29], $0x1  }
0xb4: {  	[sflag:s29] =	ssyncadd.s32 $0xFFFFFFFF  }
0xb5: {  	_ =	strace $0x9000004B  }
0xb6: {  	_ =	sfence  }
0xb7: {  	s30 =	sld [smem:$0x0];
	_ =	sdelay $0x2  }
0xb8: {  	s31 =	sshll.u32 s1, $0xD;
	s1 =	sshrl.u32 s1, $0x2  }
0xb9: {  	s3 =	sand.u32 $0x4000, s31;
	s1 =	sadd.s32 s1, s30  }
0xba: {  	s0 =	sor.u32 s3, s0;
	s1 =	sshll.u32 s1, $0x11  }
0xbb: {  	s0 =	sor.u32 s1, s0  }
0xbc: {  	s0 =	sadd.s32 $0x8F2B, s0  }
0xbd: {  	[sflag:s0] =	ssyncadd.remote.s32 $0x1  }
0xbe: {  	_ =	sfence.sel $0xFFFF  }
0xbf: {  	[dreg:$0x0] =	wrdreg $0xFFFFFFFF;
	(pc) =	sbr.abs _section_cstart, $3  }
0xc0: {  	[dreg:$0x1] =	wrdreg $0xFFFFFFFF  }
0xc1: {  	_ =	task.clear_ibuf [dreg:s7], $0x2FFFF;
	_ =	strace $0x9FFFFFFF  }
0xc2: {  	(tm) =	ssettm $0x7FFFFFFF  }
0xc3: {  	_ =	shalt  }
tec
execute0_lowered:
.L_overlay_start_1:
0x0: {  	(tag) =	ssettag $0x1  }
0x1: {  	s1 =	srdreg.scid  }
0x2: {  	s1 =	sand.u32 $0x1, s1  }
0x3: {  	p0 =	seq.s32 s1, $0x1  }
.Ltmp0:
0x4: {  	_ = 	snop;
	(pc) =	sbr.rel @p0 .LBB2_4-.Ltmp0, $4  }
0x5: {  	s7 =	rddreg [dreg:$0x0]  }
0x6: {  	s4 =	rddreg [dreg:$0x1];
	s2 =	simm.s32 $0x0  }
0x7: {  	[smem:$0x7FF] =	sst s2  }
0x8: {  	s0 =	rddreg [dreg:$0x2];
	_ =	strace $0x8000004A;
	s1 =	stileid.u32  }
0x9: {  	s3 =	sadd.s32 $0xC400, s7;
	s8 =	sshll.u32 s1, $0xB  }
0xa: {  	s5 =	sadd.s32 $0x4400, s7;
	s3 =	sadd.s32 s3, s8  }
0xb: {  	[tilespmem:s2], [sflag:$0x1] =	stream.linear.gather [hbm4b:s3+s2], $0x4000, $0x38;
	[tilespmem:$0x8900] =	vst v63  }
0xc: {  	s6 =	sshll.u32 s1, $0x8;
	s5 =	sadd.s32 s5, s8;
	s3 =	simm.s32 $0x4000  }
0xd: {  	[tilespmem:s3], [sflag:$0x1] =	stream.linear.gather [hbm4b:s5+s2], $0x4000, $0x38;
	[tilespmem:$0x8900] =	vst v63  }
0xe: {  	s28 =	sadd.s32 s4, s6;
	s4 =	simm.s32 $0x8000  }
0xf: {  	[tilespmem:s4], [sflag:$0x1] =	stream.linear.gather [hbm4b:s28+s2], $0x800, $0x38;
	[tilespmem:$0x8900] =	vst v63  }
0x10: {  	s29 =	sadd.s32 $0x14400, s7;
	s5 =	simm.s32 $0x8800  }
0x11: {  	[tilespmem:s5], [sflag:$0x1] =	stream.linear.gather [hbm4b:s29+s2], $0x80, $0x38;
	[tilespmem:$0x8900] =	vst v63  }
0x12: {  	s9 =	sadd.s32 $0x14600, s7;
	s30 =	simm.s32 $0x1;
	s6 =	simm.s32 $0x8880  }
0x13: {  	[tilespmem:s6], [sflag:$0x1] =	stream.linear.gather [hbm4b:s9+s2], $0x80, $0x38;
	[tilespmem:$0x8900] =	vst v63  }
0x14: {  	_ =	swait.ge [sflag:s30], $0x4000  }
0x15: {  	[sflag:s30] =	ssyncset.done $0x0  }
0x16: {  	[sflag:s30] =	ssyncadd.s32 $0xFFFFC000  }
0x17: {  	_ =	swait.ge [sflag:s30], $0x4000  }
0x18: {  	[sflag:s30] =	ssyncset.done $0x0  }
0x19: {  	[sflag:s30] =	ssyncadd.s32 $0xFFFFC000  }
0x1a: {  	_ =	swait.ge [sflag:s30], $0x800  }
0x1b: {  	[sflag:s30] =	ssyncset.done $0x0  }
0x1c: {  	[sflag:s30] =	ssyncadd.s32 $0xFFFFF800  }
0x1d: {  	_ =	swait.ge [sflag:s30], $0x80  }
0x1e: {  	[sflag:s30] =	ssyncset.done $0x0  }
0x1f: {  	[sflag:s30] =	ssyncadd.s32 $0xFFFFFF80  }
0x20: {  	_ =	swait.ge [sflag:s30], $0x80  }
0x21: {  	v1 =	vlaneseq.u32;
	s31 =	sadd.s32 s8, s7;
	[sflag:s30] =	ssyncset.done $0x0  }
0x22: {  	v0 =	vmul.u32 $0x80, v1;
	v1 =	vmul.u32 $0x400, v1;
	s8 =	simm.s32 $0x0;
	s7 =	sadd.s32 $0x14800, s31;
	[sflag:s30] =	ssyncadd.s32 $0xFFFFFF80  }
.LBB2_2:
0x23: {  	v2 =	vmov s8;
	_ =	sdelay $0x4  }
0x24: {  	v3 =	vld.idx.msk [tilespmem:v2+s5+$0x0], $0xffff;
	_ =	sdelay $0x3  }
0x25: {  	v4 =	vor.u32 s8, v0  }
0x26: {  	v3 =	vadd.s32 v1, v3;
	_ =	sdelay $0x1  }
0x27: {  	v2 =	vld.idx.msk [tilespmem:v2+s6+$0x0], $0xffff;
	_ =	sdelay $0x1  }
0x28: {  	v4 =	vld.idx.msk [tilespmem:v4+s4+$0x0], $0xffff  }
0x29: {  	v3 =	vld.idx.msk [tilespmem:v3+s3+$0x0], $0xffff;
	_ =	sdelay $0x1  }
0x2a: {  	s9 =	sadd.s32 $0x1, s8;
	v2 =	vadd.s32 v1, v2  }
0x2b: {  	v5 =	vmov s9;
	_ =	sdelay $0x1  }
0x2c: {  	v3 =	vmul.f32 v3, v4;
	_ =	sdelay $0x1  }
0x2d: {  	[tilespmem:v2+s2+$0x0] =	vst.idx.add.f32.msk $0xffff, v3  }
0x2e: {  	v2 =	vld.idx.msk [tilespmem:v5+s5+$0x0], $0xffff;
	_ =	sdelay $0x3  }
0x2f: {  	v3 =	vor.u32 s9, v0  }
0x30: {  	v2 =	vadd.s32 v1, v2;
	_ =	sdelay $0x1  }
0x31: {  	v63 =	vld.idx.msk [tilespmem:v5+s6+$0x0], $0xffff;
	_ =	sdelay $0x1  }
0x32: {  	v3 =	vld.idx.msk [tilespmem:v3+s4+$0x0], $0xffff  }
0x33: {  	v2 =	vld.idx.msk [tilespmem:v2+s3+$0x0], $0xffff;
	_ =	sdelay $0x1  }
0x34: {  	p0 =	sne.s32 s8, $0x7E;
	v4 =	vadd.s32 v1, v63  }
.Ltmp1:
0x35: {  	_ = 	snop;
	(pc) =	sbr.rel @p0 .LBB2_2-.Ltmp1, $3  }
0x36: {  	_ = 	snop  }
0x37: {  	v2 =	vmul.f32 v2, v3;
	_ =	sdelay $0x1  }
0x38: {  	s8 =	sadd.s32 $0x2, s8;
	[tilespmem:v4+s2+$0x0] =	vst.idx.add.f32.msk $0xffff, v2  }
0x39: {  	s2 =	simm.s32 $0x0;
	s31 =	simm.s32 $0x2  }
0x3a: {  	[hbm4b:s7+s2] =	stream.linear.scatter [tilespmem:s2], [sflag:$0x2], $0x4000, $0x38;
	[tilespmem:$0x8900] =	vst v63  }
0x3b: {  	_ =	swait.ge [sflag:s31], $0x4000  }
0x3c: {  	[sflag:s31] =	ssyncset.done $0x0  }
0x3d: {  	[sflag:s31] =	ssyncadd.s32 $0xFFFFC000  }
.LBB2_4:
0x3e: {  	_ =	sfence.sel $0x180000  }
0x3f: {  	[bflag:$0x0] =	sbarrier.arrive $0xFFFF  }
0x40: {  	p0 =	sne.s32 s1, $0x0;
	_ =	strace $0x9000004A  }
0x41: {  	s0 =	sadd.s32 @!p0 $0x100000, s0;
	[bflag:$0x2] =	sbarrier.arrive $0xFFFF  }
0x42: {  	[sflag:s0] =	ssyncadd.tile.s32 @!p0 $0x1;
	_ =	shalt  }
.Lfunc_end2:
_tile_overlayer_lowered:
.L_overlay_start_2:
0x43: {  	(tag) =	ssettag $0x2  }
0x44: {  	s0 =	rddreg [dreg:$0x0];
	s2 =	stileid.u32  }
0x45: {  	s1 =	rddreg [dreg:$0x1];
	p0 =	sne.s32 s2, $0x0  }
0x46: {  	s3 =	rddreg [dreg:$0x2];
	[bflag:$0x3] =	sbarrier.arrive $0xFFFF;
	s2 =	simm.s32 @!p0 $0x1C02  }
0x47: {  	[timem:s3], [sflag:s2] =	dma.local @!p0 [hbm:s0], s1  }
0x48: {  	s0 =	simm.s32 @!p0 $0x2  }
0x49: {  	_ =	swait.ge @!p0 [sflag:s0], s1  }
0x4a: {  	s1 =	ssub.s32 @!p0 $0x0, s1;
	[sflag:s0] =	ssyncset.done @!p0 $0x0  }
0x4b: {  	[sflag:s0] =	ssyncadd.s32 @!p0 s1  }
0x4c: {  	[bflag:$0x3] =	sbarrier.arrive $0xFFFF  }
0x4d: {  	_ =	shalt  }

// kernel: kernel.18.cloned.1.call-start
scs
__scs_entry_jumppad:
0x0: {  	(pc) =	sbr.rel $0x88, $3  }
0x1: {  	(tag) =	ssettag $0x0;
	lr =	simm.s32 $0x1  }
0x2: {  	[smem:$0x3F8B] =	sst lr;
	_ =	strace $0xD0000000  }
0x3: {  	_ = 	snop  }
0x4: {  	_ = 	snop  }
0x5: {  	_ = 	snop  }
0x6: {  	_ = 	snop  }
0x7: {  	_ = 	snop  }
__scs_overlays_trampoline_lowered:
0x8: {  	[smem:$0x3F9A] =	sst s0  }
0x9: {  	[smem:$0x3F9B] =	sst s1  }
0xa: {  	[smem:$0x3F9C] =	sst s2  }
0xb: {  	[smem:$0x3F9D] =	sst s3  }
0xc: {  	[smem:$0x3F9E] =	sst s4  }
0xd: {  	[smem:$0x3F9F] =	sst s5  }
0xe: {  	[smem:$0x3FA0] =	sst s6  }
0xf: {  	[smem:$0x3FA1] =	sst s7  }
0x10: {  	[smem:$0x3FA2] =	sst s8  }
0x11: {  	[smem:$0x3FA3] =	sst s9;
	s0 =	simm.s32 @!p0 $0x0  }
0x12: {  	s1 =	sld [smem:$0x3F89];
	s0 =	simm.s32 @p0 $0x1  }
0x13: {  	[smem:$0x3FA4] =	sst s0;
	s0 =	simm.s32 @!p1 $0x0  }
0x14: {  	s2 =	sld [smem:$0x3F88];
	s0 =	simm.s32 @p1 $0x1  }
0x15: {  	[smem:$0x3FA5] =	sst s0;
	s0 =	simm.s32 @!p2 $0x0  }
0x16: {  	s3 =	sld [smem:$0x3FDB];
	s0 =	simm.s32 @p2 $0x1  }
0x17: {  	s4 =	simm.s32 $0x1BF5;
	[smem:$0x3FA7] =	sst s0  }
0x18: {  	s0 =	sld [smem:$0x3F8A];
	_ =	swait.ge [sflag:s4], $0x0  }
0x19: {  	s7 =	sld [smem:$0x3F8B]  }
0x1a: {  	s8 =	sadd.s32 $0xFFFFE003, lr  }
0x1b: {  	s9 =	sadd.s32 $0xFFFFFEF7, lr;
	s5 =	simm.s32 $0xFFFFFFFF;
	p2 =	slt.u32 s8, $0xFFFFF086  }
0x1c: {  	p1 =	slt.u32 s9, $0xF7A;
	s5 =	simm.s32 @!p2 $0x0  }
0x1d: {  	s5 =	simm.s32 @p1 $0x1;
	p0 =	seq.s32 s7, s2  }
0x1e: {  	s7 =	smul.u32 @!p0 $0xF7A, s2;
	p2 =	seq.s32 @!p0 s5, $0x0  }
0x1f: {  	s9 =	smul.u32 $0xF7A, s1;
	s8 =	simm.s32 @!p0 $0x1BF5;
	p2 =	por !p2, p0  }
0x20: {  	[sflag:s8] =	ssyncset.s32 @!p0 $0xFFFFF086;
	s6 =	sadd.s32 @!p0 s3, s7;
	s7 =	simm.s32 @!p0 $0x108  }
0x21: {  	s3 =	sadd.s32 s3, s9;
	s6 =	sadd.s32 @!p0 $0x88, s6;
	s7 =	simm.s32 @p2 $0x1082  }
0x22: {  	[simem:s7], [sflag:s8] =	dma.local @!p0 [hbm:s6], $0xF7A  }
0x23: {  	s9 =	sor.u32 $0xD0000000, s2;
	s6 =	simm.s32 $0x108;
	_ =	swait.ge @!p0 [sflag:s8], $0x0  }
0x24: {  	s3 =	sadd.s32 $0x88, s3;
	s6 =	simm.s32 @!p1 $0x1082;
	[sflag:s4] =	ssyncset.s32 $0xFFFFF086  }
0x25: {  	[simem:s6], [sflag:s4] =	dma.local [hbm:s3], $0xF7A  }
0x26: {  	[smem:$0x3F8B] =	sst s1;
	(tag) =	ssettag s2;
	_ =	strace s9  }
0x27: {  	s1 =	sld [smem:$0x3F9B]  }
0x28: {  	s2 =	sld [smem:$0x3F9C]  }
0x29: {  	s4 =	sld [smem:$0x3F9E]  }
0x2a: {  	p0 =	seq.s32 s5, $0x0;
	s5 =	sld [smem:$0x3F9F]  }
0x2b: {  	s6 =	sld [smem:$0x3FA0]  }
0x2c: {  	s7 =	sld [smem:$0x3FA1]  }
0x2d: {  	s3 =	simm.s32 $0x108;
	s8 =	sld [smem:$0x3FA2]  }
0x2e: {  	s3 =	simm.s32 @!p0 $0x1082;
	s9 =	sld [smem:$0x3FA3]  }
0x2f: {  	lr =	sadd.s32 s0, s3;
	s0 =	sld [smem:$0x3F9A]  }
0x30: {  	s3 =	sld [smem:$0x3F9D]  }
0x31: {  	[smem:$0x3FA6] =	sst s10  }
0x32: {  	s10 =	sld [smem:$0x3FA4];
	_ =	sdelay $0x3  }
0x33: {  	p0 =	seq.s32 s10, $0x1;
	s10 =	sld [smem:$0x3FA6];
	_ =	sdelay $0x3  }
0x34: {  	[smem:$0x3FA6] =	sst s10  }
0x35: {  	s10 =	sld [smem:$0x3FA5];
	_ =	sdelay $0x3  }
0x36: {  	p1 =	seq.s32 s10, $0x1;
	s10 =	sld [smem:$0x3FA6];
	_ =	sdelay $0x3  }
0x37: {  	[smem:$0x3FA6] =	sst s10  }
0x38: {  	s10 =	sld [smem:$0x3FA7]  }
0x39: {  	_ = 	snop;
	(pc) =	sbr.ind lr, $3  }
0x3a: {  	_ = 	snop  }
0x3b: {  	_ = 	snop  }
0x3c: {  	p2 =	seq.s32 s10, $0x1;
	s10 =	sld [smem:$0x3FA6]  }
0x3d: {  	_ =	shalt  }
0x3e: {  	_ =	shalt  }
0x3f: {  	_ =	shalt  }
0x40: {  	_ =	shalt  }
0x41: {  	_ =	shalt  }
0x42: {  	_ =	shalt  }
0x43: {  	_ =	shalt  }
0x44: {  	_ =	shalt  }
0x45: {  	_ =	shalt  }
0x46: {  	_ =	shalt  }
0x47: {  	_ =	shalt  }
0x48: {  	_ =	shalt  }
0x49: {  	_ =	shalt  }
0x4a: {  	_ =	shalt  }
0x4b: {  	_ =	shalt  }
0x4c: {  	_ =	shalt  }
0x4d: {  	_ =	shalt  }
0x4e: {  	_ =	shalt  }
0x4f: {  	_ =	shalt  }
0x50: {  	_ =	shalt  }
0x51: {  	_ =	shalt  }
0x52: {  	_ =	shalt  }
0x53: {  	_ =	shalt  }
0x54: {  	_ =	shalt  }
0x55: {  	_ =	shalt  }
0x56: {  	_ =	shalt  }
0x57: {  	_ =	shalt  }
0x58: {  	_ =	shalt  }
0x59: {  	_ =	shalt  }
0x5a: {  	_ =	shalt  }
0x5b: {  	_ =	shalt  }
0x5c: {  	_ =	shalt  }
0x5d: {  	_ =	shalt  }
0x5e: {  	_ =	shalt  }
0x5f: {  	_ =	shalt  }
0x60: {  	_ =	shalt  }
0x61: {  	_ =	shalt  }
0x62: {  	_ =	shalt  }
0x63: {  	_ =	shalt  }
0x64: {  	_ =	shalt  }
0x65: {  	_ =	shalt  }
0x66: {  	_ =	shalt  }
0x67: {  	_ =	shalt  }
0x68: {  	_ =	shalt  }
0x69: {  	_ =	shalt  }
0x6a: {  	_ =	shalt  }
0x6b: {  	_ =	shalt  }
0x6c: {  	_ =	shalt  }
0x6d: {  	_ =	shalt  }
0x6e: {  	_ =	shalt  }
0x6f: {  	_ =	shalt  }
0x70: {  	_ =	shalt  }
0x71: {  	_ =	shalt  }
0x72: {  	_ =	shalt  }
0x73: {  	_ =	shalt  }
0x74: {  	_ =	shalt  }
0x75: {  	_ =	shalt  }
0x76: {  	_ =	shalt  }
0x77: {  	_ =	shalt  }
0x78: {  	_ =	shalt  }
0x79: {  	_ =	shalt  }
0x7a: {  	_ =	shalt  }
0x7b: {  	_ =	shalt  }
0x7c: {  	_ =	shalt  }
0x7d: {  	_ =	shalt  }
0x7e: {  	_ =	shalt  }
0x7f: {  	_ =	shalt  }
0x80: {  	_ =	shalt  }
0x81: {  	_ =	shalt  }
0x82: {  	_ =	shalt  }
0x83: {  	_ =	shalt  }
0x84: {  	_ =	shalt  }
0x85: {  	_ =	shalt  }
0x86: {  	_ =	shalt  }
0x87: {  	_ =	shalt  }
.Lfunc_end0:
.L_simem_size_0:
called_computation.2_lowered:
.L_overlay_start_0:
0x88: {  	s2 =	sld [smem:$0x3FD9]  }
0x89: {  	s3 =	sld [smem:$0x3FFE];
	_ =	sdelay $0x1  }
0x8a: {  	s1 =	srdreg.scid  }
0x8b: {  	s0 =	sand.u32 $0x1, s1  }
0x8c: {  	s17 =	sshll.u32 s0, $0xA;
	s2 =	sadd.s32 s3, s2  }
0x8d: {  	s2 =	sadd.s32 s2, s17  }
0x8e: {  	[smem:$0x3FB2] =	sst s2  }
0x8f: {  	_ = 	snop  }
0x90: {  	s2 =	sld [smem:$0x3FD0];
	(tm) =	ssettm $0x1  }
0x91: {  	s18 =	sld [smem:$0x3FFB];
	_ =	sdelay $0x3  }
0x92: {  	_ =	strace s18  }
0x93: {  	s3 =	sld [smem:$0x3FFC];
	_ =	sdelay $0x3  }
0x94: {  	_ =	strace s3  }
0x95: {  	s3 =	sld [smem:$0x3FFD];
	_ =	sdelay $0x3  }
0x96: {  	_ =	strace s3  }
0x97: {  	_ =	strace $0x8FFFFFFF  }
0x98: {  	s19 =	sld [smem:$0x3FDB];
	_ =	sdelay $0x1  }
0x99: {  	s4 =	simm.s32 $_scs_section_size  }
0x9a: {  	s5 =	simm.s32 $_size__tile_overlayer_lowered;
	s6 =	simm.s32 $_tile_overlayer_lowered  }
0x9b: {  	s22 =	simm.s32 $0x1BFF;
	s21 =	sshll.u32 s6, $0x1;
	s3 =	sadd.s32 s4, s19  }
0x9c: {  	s7 =	simm.s32 $0x0;
	s20 =	sshll.u32 s5, $0x1;
	s5 =	sadd.s32 s21, s3  }
0x9d: {  	[timem:s7], [sflag:s22] =	dma.local [hbm:s5], s20  }
0x9e: {  	_ =	swait.ge [sflag:s22], s20  }
0x9f: {  	s4 =	ssub.s32 $0x0, s20;
	[sflag:s22] =	ssyncset.done $0x0  }
0xa0: {  	[sflag:s22] =	ssyncadd.s32 s4;
	_ =	sdelay $0x1  }
0xa1: {  	s23 =	simm.s32 $0x1B8B  }
0xa2: {  	_ =	swait.ge [sflag:s23], $0x1  }
0xa3: {  	[sflag:s23] =	ssyncset.done $0x0  }
0xa4: {  	s25 =	simm.s32 $0x1B8E;
	s24 =	sld [smem:$0x3FFE];
	[sflag:s23] =	ssyncadd.s32 $0xFFFFFFFF  }
0xa5: {  	s26 =	simm.s32 $execute0_lowered;
	[smem:$0x3FD2] =	sst s25  }
0xa6: {  	s5 =	sshll.u32 s26, $0x1;
	_ =	strace $0x8000004C;
	[dreg:$0x1] =	wrdreg $0xFFFFFFFF  }
0xa7: {  	s28 =	simm.s32 $_size_execute0_lowered;
	s3 =	sadd.s32 s3, s5;
	[dreg:$0x0] =	wrdreg $0x0  }
0xa8: {  	s5 =	sshll.u32 s28, $0x1;
	[dreg:$0x2] =	wrdreg s3  }
0xa9: {  	[dreg:$0x3] =	wrdreg s5  }
0xaa: {  	[dreg:$0x4] =	wrdreg $0xC0  }
0xab: {  	_ =	task [dreg:s7], $0x5FFFF  }
0xac: {  	[dreg:$0x1] =	wrdreg $0xFFFFFFFF  }
0xad: {  	[dreg:$0x0] =	wrdreg $0x60  }
0xae: {  	[dreg:$0x2] =	wrdreg s24  }
0xaf: {  	[dreg:$0x3] =	wrdreg s2  }
0xb0: {  	[dreg:$0x4] =	wrdreg $0x9  }
0xb1: {  	_ =	task.clear_ibuf [dreg:s7], $0x5FFFF;
	_ =	strace $0x9000004C  }
0xb2: {  	s29 =	simm.s32 $0x9;
	_ =	strace $0x8000004E  }
0xb3: {  	_ =	swait.ge [sflag:s29], $0x1  }
0xb4: {  	[sflag:s29] =	ssyncadd.s32 $0xFFFFFFFF  }
0xb5: {  	_ =	strace $0x9000004E  }
0xb6: {  	_ =	sfence  }
0xb7: {  	s30 =	sld [smem:$0x0];
	_ =	sdelay $0x2  }
0xb8: {  	s31 =	sshll.u32 s1, $0xD;
	s1 =	sshrl.u32 s1, $0x2  }
0xb9: {  	s3 =	sand.u32 $0x4000, s31;
	s1 =	sadd.s32 s1, s30  }
0xba: {  	s0 =	sor.u32 s3, s0;
	s1 =	sshll.u32 s1, $0x11  }
0xbb: {  	s0 =	sor.u32 s1, s0  }
0xbc: {  	s0 =	sadd.s32 $0x8F2B, s0  }
0xbd: {  	[sflag:s0] =	ssyncadd.remote.s32 $0x1  }
0xbe: {  	_ =	sfence.sel $0xFFFF  }
0xbf: {  	[dreg:$0x0] =	wrdreg $0xFFFFFFFF;
	(pc) =	sbr.abs _section_cstart, $3  }
0xc0: {  	[dreg:$0x1] =	wrdreg $0xFFFFFFFF  }
0xc1: {  	_ =	task.clear_ibuf [dreg:s7], $0x2FFFF;
	_ =	strace $0x9FFFFFFF  }
0xc2: {  	(tm) =	ssettm $0x7FFFFFFF  }
0xc3: {  	_ =	shalt  }
tec
execute0_lowered:
.L_overlay_start_1:
0x0: {  	(tag) =	ssettag $0x1  }
0x1: {  	s1 =	srdreg.scid  }
0x2: {  	s1 =	sand.u32 $0x1, s1  }
0x3: {  	p0 =	seq.s32 s1, $0x1  }
.Ltmp0:
0x4: {  	_ = 	snop;
	(pc) =	sbr.rel @p0 .LBB2_4-.Ltmp0, $4  }
0x5: {  	s7 =	rddreg [dreg:$0x0]  }
0x6: {  	s4 =	rddreg [dreg:$0x1];
	s2 =	simm.s32 $0x0  }
0x7: {  	[smem:$0x7FF] =	sst s2  }
0x8: {  	s0 =	rddreg [dreg:$0x2];
	_ =	strace $0x8000004D;
	s1 =	stileid.u32  }
0x9: {  	s3 =	sadd.s32 $0xC400, s7;
	s8 =	sshll.u32 s1, $0xB  }
0xa: {  	s5 =	sadd.s32 $0x4400, s7;
	s3 =	sadd.s32 s3, s8  }
0xb: {  	[tilespmem:s2], [sflag:$0x1] =	stream.linear.gather [hbm4b:s3+s2], $0x4000, $0x38;
	[tilespmem:$0x8900] =	vst v63  }
0xc: {  	s6 =	sshll.u32 s1, $0x8;
	s5 =	sadd.s32 s5, s8;
	s3 =	simm.s32 $0x4000  }
0xd: {  	[tilespmem:s3], [sflag:$0x1] =	stream.linear.gather [hbm4b:s5+s2], $0x4000, $0x38;
	[tilespmem:$0x8900] =	vst v63  }
0xe: {  	s28 =	sadd.s32 s4, s6;
	s4 =	simm.s32 $0x8000  }
0xf: {  	[tilespmem:s4], [sflag:$0x1] =	stream.linear.gather [hbm4b:s28+s2], $0x800, $0x38;
	[tilespmem:$0x8900] =	vst v63  }
0x10: {  	s29 =	sadd.s32 $0x14400, s7;
	s5 =	simm.s32 $0x8800  }
0x11: {  	[tilespmem:s5], [sflag:$0x1] =	stream.linear.gather [hbm4b:s29+s2], $0x80, $0x38;
	[tilespmem:$0x8900] =	vst v63  }
0x12: {  	s9 =	sadd.s32 $0x14600, s7;
	s30 =	simm.s32 $0x1;
	s6 =	simm.s32 $0x8880  }
0x13: {  	[tilespmem:s6], [sflag:$0x1] =	stream.linear.gather [hbm4b:s9+s2], $0x80, $0x38;
	[tilespmem:$0x8900] =	vst v63  }
0x14: {  	_ =	swait.ge [sflag:s30], $0x4000  }
0x15: {  	[sflag:s30] =	ssyncset.done $0x0  }
0x16: {  	[sflag:s30] =	ssyncadd.s32 $0xFFFFC000  }
0x17: {  	_ =	swait.ge [sflag:s30], $0x4000  }
0x18: {  	[sflag:s30] =	ssyncset.done $0x0  }
0x19: {  	[sflag:s30] =	ssyncadd.s32 $0xFFFFC000  }
0x1a: {  	_ =	swait.ge [sflag:s30], $0x800  }
0x1b: {  	[sflag:s30] =	ssyncset.done $0x0  }
0x1c: {  	[sflag:s30] =	ssyncadd.s32 $0xFFFFF800  }
0x1d: {  	_ =	swait.ge [sflag:s30], $0x80  }
0x1e: {  	[sflag:s30] =	ssyncset.done $0x0  }
0x1f: {  	[sflag:s30] =	ssyncadd.s32 $0xFFFFFF80  }
0x20: {  	_ =	swait.ge [sflag:s30], $0x80  }
0x21: {  	v1 =	vlaneseq.u32;
	s31 =	sadd.s32 s8, s7;
	[sflag:s30] =	ssyncset.done $0x0  }
0x22: {  	v0 =	vmul.u32 $0x80, v1;
	v1 =	vmul.u32 $0x400, v1;
	s8 =	simm.s32 $0x0;
	s7 =	sadd.s32 $0x14800, s31;
	[sflag:s30] =	ssyncadd.s32 $0xFFFFFF80  }
.LBB2_2:
0x23: {  	v2 =	vmov s8;
	_ =	sdelay $0x4  }
0x24: {  	v3 =	vld.idx.msk [tilespmem:v2+s5+$0x0], $0xffff;
	_ =	sdelay $0x3  }
0x25: {  	v4 =	vor.u32 s8, v0  }
0x26: {  	v3 =	vadd.s32 v1, v3;
	_ =	sdelay $0x1  }
0x27: {  	v2 =	vld.idx.msk [tilespmem:v2+s6+$0x0], $0xffff;
	_ =	sdelay $0x1  }
0x28: {  	v4 =	vld.idx.msk [tilespmem:v4+s4+$0x0], $0xffff  }
0x29: {  	v3 =	vld.idx.msk [tilespmem:v3+s3+$0x0], $0xffff;
	_ =	sdelay $0x1  }
0x2a: {  	s9 =	sadd.s32 $0x1, s8;
	v2 =	vadd.s32 v1, v2  }
0x2b: {  	v5 =	vmov s9;
	_ =	sdelay $0x1  }
0x2c: {  	v3 =	vmul.f32 v3, v4;
	_ =	sdelay $0x1  }
0x2d: {  	[tilespmem:v2+s2+$0x0] =	vst.idx.add.f32.msk $0xffff, v3  }
0x2e: {  	v2 =	vld.idx.msk [tilespmem:v5+s5+$0x0], $0xffff;
	_ =	sdelay $0x3  }
0x2f: {  	v3 =	vor.u32 s9, v0  }
0x30: {  	v2 =	vadd.s32 v1, v2;
	_ =	sdelay $0x1  }
0x31: {  	v63 =	vld.idx.msk [tilespmem:v5+s6+$0x0], $0xffff;
	_ =	sdelay $0x1  }
0x32: {  	v3 =	vld.idx.msk [tilespmem:v3+s4+$0x0], $0xffff  }
0x33: {  	v2 =	vld.idx.msk [tilespmem:v2+s3+$0x0], $0xffff;
	_ =	sdelay $0x1  }
0x34: {  	p0 =	sne.s32 s8, $0x7E;
	v4 =	vadd.s32 v1, v63  }
.Ltmp1:
0x35: {  	_ = 	snop;
	(pc) =	sbr.rel @p0 .LBB2_2-.Ltmp1, $3  }
0x36: {  	_ = 	snop  }
0x37: {  	v2 =	vmul.f32 v2, v3;
	_ =	sdelay $0x1  }
0x38: {  	s8 =	sadd.s32 $0x2, s8;
	[tilespmem:v4+s2+$0x0] =	vst.idx.add.f32.msk $0xffff, v2  }
0x39: {  	s2 =	simm.s32 $0x0;
	s31 =	simm.s32 $0x2  }
0x3a: {  	[hbm4b:s7+s2] =	stream.linear.scatter [tilespmem:s2], [sflag:$0x2], $0x4000, $0x38;
	[tilespmem:$0x8900] =	vst v63  }
0x3b: {  	_ =	swait.ge [sflag:s31], $0x4000  }
0x3c: {  	[sflag:s31] =	ssyncset.done $0x0  }
0x3d: {  	[sflag:s31] =	ssyncadd.s32 $0xFFFFC000  }
.LBB2_4:
0x3e: {  	_ =	sfence.sel $0x180000  }
0x3f: {  	[bflag:$0x0] =	sbarrier.arrive $0xFFFF  }
0x40: {  	p0 =	sne.s32 s1, $0x0;
	_ =	strace $0x9000004D  }
0x41: {  	s0 =	sadd.s32 @!p0 $0x100000, s0;
	[bflag:$0x2] =	sbarrier.arrive $0xFFFF  }
0x42: {  	[sflag:s0] =	ssyncadd.tile.s32 @!p0 $0x1;
	_ =	shalt  }
.Lfunc_end2:
_tile_overlayer_lowered:
.L_overlay_start_2:
0x43: {  	(tag) =	ssettag $0x2  }
0x44: {  	s0 =	rddreg [dreg:$0x0];
	s2 =	stileid.u32  }
0x45: {  	s1 =	rddreg [dreg:$0x1];
	p0 =	sne.s32 s2, $0x0  }
0x46: {  	s3 =	rddreg [dreg:$0x2];
	[bflag:$0x3] =	sbarrier.arrive $0xFFFF;
	s2 =	simm.s32 @!p0 $0x1C02  }
0x47: {  	[timem:s3], [sflag:s2] =	dma.local @!p0 [hbm:s0], s1  }
0x48: {  	s0 =	simm.s32 @!p0 $0x2  }
0x49: {  	_ =	swait.ge @!p0 [sflag:s0], s1  }
0x4a: {  	s1 =	ssub.s32 @!p0 $0x0, s1;
	[sflag:s0] =	ssyncset.done @!p0 $0x0  }
0x4b: {  	[sflag:s0] =	ssyncadd.s32 @!p0 s1  }
0x4c: {  	[bflag:$0x3] =	sbarrier.arrive $0xFFFF  }
0x4d: {  	_ =	shalt  }

// kernel: kernel.21.cloned.1.call-start
scs
__scs_entry_jumppad:
0x0: {  	(pc) =	sbr.rel $0x88, $3  }
0x1: {  	(tag) =	ssettag $0x0;
	lr =	simm.s32 $0x1  }
0x2: {  	[smem:$0x3F8B] =	sst lr;
	_ =	strace $0xD0000000  }
0x3: {  	_ = 	snop  }
0x4: {  	_ = 	snop  }
0x5: {  	_ = 	snop  }
0x6: {  	_ = 	snop  }
0x7: {  	_ = 	snop  }
__scs_overlays_trampoline_lowered:
0x8: {  	[smem:$0x3F9A] =	sst s0  }
0x9: {  	[smem:$0x3F9B] =	sst s1  }
0xa: {  	[smem:$0x3F9C] =	sst s2  }
0xb: {  	[smem:$0x3F9D] =	sst s3  }
0xc: {  	[smem:$0x3F9E] =	sst s4  }
0xd: {  	[smem:$0x3F9F] =	sst s5  }
0xe: {  	[smem:$0x3FA0] =	sst s6  }
0xf: {  	[smem:$0x3FA1] =	sst s7  }
0x10: {  	[smem:$0x3FA2] =	sst s8  }
0x11: {  	[smem:$0x3FA3] =	sst s9;
	s0 =	simm.s32 @!p0 $0x0  }
0x12: {  	s1 =	sld [smem:$0x3F89];
	s0 =	simm.s32 @p0 $0x1  }
0x13: {  	[smem:$0x3FA4] =	sst s0;
	s0 =	simm.s32 @!p1 $0x0  }
0x14: {  	s2 =	sld [smem:$0x3F88];
	s0 =	simm.s32 @p1 $0x1  }
0x15: {  	[smem:$0x3FA5] =	sst s0;
	s0 =	simm.s32 @!p2 $0x0  }
0x16: {  	s3 =	sld [smem:$0x3FDB];
	s0 =	simm.s32 @p2 $0x1  }
0x17: {  	s4 =	simm.s32 $0x1BF5;
	[smem:$0x3FA7] =	sst s0  }
0x18: {  	s0 =	sld [smem:$0x3F8A];
	_ =	swait.ge [sflag:s4], $0x0  }
0x19: {  	s7 =	sld [smem:$0x3F8B]  }
0x1a: {  	s8 =	sadd.s32 $0xFFFFE003, lr  }
0x1b: {  	s9 =	sadd.s32 $0xFFFFFEF7, lr;
	s5 =	simm.s32 $0xFFFFFFFF;
	p2 =	slt.u32 s8, $0xFFFFF086  }
0x1c: {  	p1 =	slt.u32 s9, $0xF7A;
	s5 =	simm.s32 @!p2 $0x0  }
0x1d: {  	s5 =	simm.s32 @p1 $0x1;
	p0 =	seq.s32 s7, s2  }
0x1e: {  	s7 =	smul.u32 @!p0 $0xF7A, s2;
	p2 =	seq.s32 @!p0 s5, $0x0  }
0x1f: {  	s9 =	smul.u32 $0xF7A, s1;
	s8 =	simm.s32 @!p0 $0x1BF5;
	p2 =	por !p2, p0  }
0x20: {  	[sflag:s8] =	ssyncset.s32 @!p0 $0xFFFFF086;
	s6 =	sadd.s32 @!p0 s3, s7;
	s7 =	simm.s32 @!p0 $0x108  }
0x21: {  	s3 =	sadd.s32 s3, s9;
	s6 =	sadd.s32 @!p0 $0x88, s6;
	s7 =	simm.s32 @p2 $0x1082  }
0x22: {  	[simem:s7], [sflag:s8] =	dma.local @!p0 [hbm:s6], $0xF7A  }
0x23: {  	s9 =	sor.u32 $0xD0000000, s2;
	s6 =	simm.s32 $0x108;
	_ =	swait.ge @!p0 [sflag:s8], $0x0  }
0x24: {  	s3 =	sadd.s32 $0x88, s3;
	s6 =	simm.s32 @!p1 $0x1082;
	[sflag:s4] =	ssyncset.s32 $0xFFFFF086  }
0x25: {  	[simem:s6], [sflag:s4] =	dma.local [hbm:s3], $0xF7A  }
0x26: {  	[smem:$0x3F8B] =	sst s1;
	(tag) =	ssettag s2;
	_ =	strace s9  }
0x27: {  	s1 =	sld [smem:$0x3F9B]  }
0x28: {  	s2 =	sld [smem:$0x3F9C]  }
0x29: {  	s4 =	sld [smem:$0x3F9E]  }
0x2a: {  	p0 =	seq.s32 s5, $0x0;
	s5 =	sld [smem:$0x3F9F]  }
0x2b: {  	s6 =	sld [smem:$0x3FA0]  }
0x2c: {  	s7 =	sld [smem:$0x3FA1]  }
0x2d: {  	s3 =	simm.s32 $0x108;
	s8 =	sld [smem:$0x3FA2]  }
0x2e: {  	s3 =	simm.s32 @!p0 $0x1082;
	s9 =	sld [smem:$0x3FA3]  }
0x2f: {  	lr =	sadd.s32 s0, s3;
	s0 =	sld [smem:$0x3F9A]  }
0x30: {  	s3 =	sld [smem:$0x3F9D]  }
0x31: {  	[smem:$0x3FA6] =	sst s10  }
0x32: {  	s10 =	sld [smem:$0x3FA4];
	_ =	sdelay $0x3  }
0x33: {  	p0 =	seq.s32 s10, $0x1;
	s10 =	sld [smem:$0x3FA6];
	_ =	sdelay $0x3  }
0x34: {  	[smem:$0x3FA6] =	sst s10  }
0x35: {  	s10 =	sld [smem:$0x3FA5];
	_ =	sdelay $0x3  }
0x36: {  	p1 =	seq.s32 s10, $0x1;
	s10 =	sld [smem:$0x3FA6];
	_ =	sdelay $0x3  }
0x37: {  	[smem:$0x3FA6] =	sst s10  }
0x38: {  	s10 =	sld [smem:$0x3FA7]  }
0x39: {  	_ = 	snop;
	(pc) =	sbr.ind lr, $3  }
0x3a: {  	_ = 	snop  }
0x3b: {  	_ = 	snop  }
0x3c: {  	p2 =	seq.s32 s10, $0x1;
	s10 =	sld [smem:$0x3FA6]  }
0x3d: {  	_ =	shalt  }
0x3e: {  	_ =	shalt  }
0x3f: {  	_ =	shalt  }
0x40: {  	_ =	shalt  }
0x41: {  	_ =	shalt  }
0x42: {  	_ =	shalt  }
0x43: {  	_ =	shalt  }
0x44: {  	_ =	shalt  }
0x45: {  	_ =	shalt  }
0x46: {  	_ =	shalt  }
0x47: {  	_ =	shalt  }
0x48: {  	_ =	shalt  }
0x49: {  	_ =	shalt  }
0x4a: {  	_ =	shalt  }
0x4b: {  	_ =	shalt  }
0x4c: {  	_ =	shalt  }
0x4d: {  	_ =	shalt  }
0x4e: {  	_ =	shalt  }
0x4f: {  	_ =	shalt  }
0x50: {  	_ =	shalt  }
0x51: {  	_ =	shalt  }
0x52: {  	_ =	shalt  }
0x53: {  	_ =	shalt  }
0x54: {  	_ =	shalt  }
0x55: {  	_ =	shalt  }
0x56: {  	_ =	shalt  }
0x57: {  	_ =	shalt  }
0x58: {  	_ =	shalt  }
0x59: {  	_ =	shalt  }
0x5a: {  	_ =	shalt  }
0x5b: {  	_ =	shalt  }
0x5c: {  	_ =	shalt  }
0x5d: {  	_ =	shalt  }
0x5e: {  	_ =	shalt  }
0x5f: {  	_ =	shalt  }
0x60: {  	_ =	shalt  }
0x61: {  	_ =	shalt  }
0x62: {  	_ =	shalt  }
0x63: {  	_ =	shalt  }
0x64: {  	_ =	shalt  }
0x65: {  	_ =	shalt  }
0x66: {  	_ =	shalt  }
0x67: {  	_ =	shalt  }
0x68: {  	_ =	shalt  }
0x69: {  	_ =	shalt  }
0x6a: {  	_ =	shalt  }
0x6b: {  	_ =	shalt  }
0x6c: {  	_ =	shalt  }
0x6d: {  	_ =	shalt  }
0x6e: {  	_ =	shalt  }
0x6f: {  	_ =	shalt  }
0x70: {  	_ =	shalt  }
0x71: {  	_ =	shalt  }
0x72: {  	_ =	shalt  }
0x73: {  	_ =	shalt  }
0x74: {  	_ =	shalt  }
0x75: {  	_ =	shalt  }
0x76: {  	_ =	shalt  }
0x77: {  	_ =	shalt  }
0x78: {  	_ =	shalt  }
0x79: {  	_ =	shalt  }
0x7a: {  	_ =	shalt  }
0x7b: {  	_ =	shalt  }
0x7c: {  	_ =	shalt  }
0x7d: {  	_ =	shalt  }
0x7e: {  	_ =	shalt  }
0x7f: {  	_ =	shalt  }
0x80: {  	_ =	shalt  }
0x81: {  	_ =	shalt  }
0x82: {  	_ =	shalt  }
0x83: {  	_ =	shalt  }
0x84: {  	_ =	shalt  }
0x85: {  	_ =	shalt  }
0x86: {  	_ =	shalt  }
0x87: {  	_ =	shalt  }
.Lfunc_end0:
.L_simem_size_0:
called_computation.3_lowered:
.L_overlay_start_0:
0x88: {  	s2 =	sld [smem:$0x3FD9]  }
0x89: {  	s3 =	sld [smem:$0x3FFE];
	_ =	sdelay $0x1  }
0x8a: {  	s1 =	srdreg.scid  }
0x8b: {  	s0 =	sand.u32 $0x1, s1  }
0x8c: {  	s17 =	sshll.u32 s0, $0xA;
	s2 =	sadd.s32 s3, s2  }
0x8d: {  	s2 =	sadd.s32 s2, s17  }
0x8e: {  	[smem:$0x3FB2] =	sst s2  }
0x8f: {  	_ = 	snop  }
0x90: {  	s2 =	sld [smem:$0x3FD0];
	(tm) =	ssettm $0x1  }
0x91: {  	s18 =	sld [smem:$0x3FFB];
	_ =	sdelay $0x3  }
0x92: {  	_ =	strace s18  }
0x93: {  	s3 =	sld [smem:$0x3FFC];
	_ =	sdelay $0x3  }
0x94: {  	_ =	strace s3  }
0x95: {  	s3 =	sld [smem:$0x3FFD];
	_ =	sdelay $0x3  }
0x96: {  	_ =	strace s3  }
0x97: {  	_ =	strace $0x8FFFFFFF  }
0x98: {  	s19 =	sld [smem:$0x3FDB];
	_ =	sdelay $0x1  }
0x99: {  	s4 =	simm.s32 $_scs_section_size  }
0x9a: {  	s5 =	simm.s32 $_size__tile_overlayer_lowered;
	s6 =	simm.s32 $_tile_overlayer_lowered  }
0x9b: {  	s22 =	simm.s32 $0x1BFF;
	s21 =	sshll.u32 s6, $0x1;
	s3 =	sadd.s32 s4, s19  }
0x9c: {  	s7 =	simm.s32 $0x0;
	s20 =	sshll.u32 s5, $0x1;
	s5 =	sadd.s32 s21, s3  }
0x9d: {  	[timem:s7], [sflag:s22] =	dma.local [hbm:s5], s20  }
0x9e: {  	_ =	swait.ge [sflag:s22], s20  }
0x9f: {  	s4 =	ssub.s32 $0x0, s20;
	[sflag:s22] =	ssyncset.done $0x0  }
0xa0: {  	[sflag:s22] =	ssyncadd.s32 s4;
	_ =	sdelay $0x1  }
0xa1: {  	s23 =	simm.s32 $0x1B8B  }
0xa2: {  	_ =	swait.ge [sflag:s23], $0x1  }
0xa3: {  	[sflag:s23] =	ssyncset.done $0x0  }
0xa4: {  	s25 =	simm.s32 $0x1B8E;
	s24 =	sld [smem:$0x3FFE];
	[sflag:s23] =	ssyncadd.s32 $0xFFFFFFFF  }
0xa5: {  	s26 =	simm.s32 $execute0_lowered;
	[smem:$0x3FD2] =	sst s25  }
0xa6: {  	s5 =	sshll.u32 s26, $0x1;
	_ =	strace $0x8000004F;
	[dreg:$0x1] =	wrdreg $0xFFFFFFFF  }
0xa7: {  	s28 =	simm.s32 $_size_execute0_lowered;
	s3 =	sadd.s32 s3, s5;
	[dreg:$0x0] =	wrdreg $0x0  }
0xa8: {  	s5 =	sshll.u32 s28, $0x1;
	[dreg:$0x2] =	wrdreg s3  }
0xa9: {  	[dreg:$0x3] =	wrdreg s5  }
0xaa: {  	[dreg:$0x4] =	wrdreg $0xC0  }
0xab: {  	_ =	task [dreg:s7], $0x5FFFF  }
0xac: {  	[dreg:$0x1] =	wrdreg $0xFFFFFFFF  }
0xad: {  	[dreg:$0x0] =	wrdreg $0x60  }
0xae: {  	[dreg:$0x2] =	wrdreg s24  }
0xaf: {  	[dreg:$0x3] =	wrdreg s2  }
0xb0: {  	[dreg:$0x4] =	wrdreg $0x9  }
0xb1: {  	_ =	task.clear_ibuf [dreg:s7], $0x5FFFF;
	_ =	strace $0x9000004F  }
0xb2: {  	s29 =	simm.s32 $0x9;
	_ =	strace $0x80000051  }
0xb3: {  	_ =	swait.ge [sflag:s29], $0x1  }
0xb4: {  	[sflag:s29] =	ssyncadd.s32 $0xFFFFFFFF  }
0xb5: {  	_ =	strace $0x90000051  }
0xb6: {  	_ =	sfence  }
0xb7: {  	s30 =	sld [smem:$0x0];
	_ =	sdelay $0x2  }
0xb8: {  	s31 =	sshll.u32 s1, $0xD;
	s1 =	sshrl.u32 s1, $0x2  }
0xb9: {  	s3 =	sand.u32 $0x4000, s31;
	s1 =	sadd.s32 s1, s30  }
0xba: {  	s0 =	sor.u32 s3, s0;
	s1 =	sshll.u32 s1, $0x11  }
0xbb: {  	s0 =	sor.u32 s1, s0  }
0xbc: {  	s0 =	sadd.s32 $0x8F2B, s0  }
0xbd: {  	[sflag:s0] =	ssyncadd.remote.s32 $0x1  }
0xbe: {  	_ =	sfence.sel $0xFFFF  }
0xbf: {  	[dreg:$0x0] =	wrdreg $0xFFFFFFFF;
	(pc) =	sbr.abs _section_cstart, $3  }
0xc0: {  	[dreg:$0x1] =	wrdreg $0xFFFFFFFF  }
0xc1: {  	_ =	task.clear_ibuf [dreg:s7], $0x2FFFF;
	_ =	strace $0x9FFFFFFF  }
0xc2: {  	(tm) =	ssettm $0x7FFFFFFF  }
0xc3: {  	_ =	shalt  }
tec
execute0_lowered:
.L_overlay_start_1:
0x0: {  	(tag) =	ssettag $0x1  }
0x1: {  	s1 =	srdreg.scid  }
0x2: {  	s1 =	sand.u32 $0x1, s1  }
0x3: {  	p0 =	seq.s32 s1, $0x1  }
.Ltmp0:
0x4: {  	_ = 	snop;
	(pc) =	sbr.rel @p0 .LBB2_4-.Ltmp0, $4  }
0x5: {  	s7 =	rddreg [dreg:$0x0]  }
0x6: {  	s4 =	rddreg [dreg:$0x1];
	s2 =	simm.s32 $0x0  }
0x7: {  	[smem:$0x7FF] =	sst s2  }
0x8: {  	s0 =	rddreg [dreg:$0x2];
	_ =	strace $0x80000050;
	s1 =	stileid.u32  }
0x9: {  	s3 =	sadd.s32 $0xC400, s7;
	s8 =	sshll.u32 s1, $0xB  }
0xa: {  	s5 =	sadd.s32 $0x4400, s7;
	s3 =	sadd.s32 s3, s8  }
0xb: {  	[tilespmem:s2], [sflag:$0x1] =	stream.linear.gather [hbm4b:s3+s2], $0x4000, $0x38;
	[tilespmem:$0x8900] =	vst v63  }
0xc: {  	s6 =	sshll.u32 s1, $0x8;
	s5 =	sadd.s32 s5, s8;
	s3 =	simm.s32 $0x4000  }
0xd: {  	[tilespmem:s3], [sflag:$0x1] =	stream.linear.gather [hbm4b:s5+s2], $0x4000, $0x38;
	[tilespmem:$0x8900] =	vst v63  }
0xe: {  	s28 =	sadd.s32 s4, s6;
	s4 =	simm.s32 $0x8000  }
0xf: {  	[tilespmem:s4], [sflag:$0x1] =	stream.linear.gather [hbm4b:s28+s2], $0x800, $0x38;
	[tilespmem:$0x8900] =	vst v63  }
0x10: {  	s29 =	sadd.s32 $0x14400, s7;
	s5 =	simm.s32 $0x8800  }
0x11: {  	[tilespmem:s5], [sflag:$0x1] =	stream.linear.gather [hbm4b:s29+s2], $0x80, $0x38;
	[tilespmem:$0x8900] =	vst v63  }
0x12: {  	s9 =	sadd.s32 $0x14600, s7;
	s30 =	simm.s32 $0x1;
	s6 =	simm.s32 $0x8880  }
0x13: {  	[tilespmem:s6], [sflag:$0x1] =	stream.linear.gather [hbm4b:s9+s2], $0x80, $0x38;
	[tilespmem:$0x8900] =	vst v63  }
0x14: {  	_ =	swait.ge [sflag:s30], $0x4000  }
0x15: {  	[sflag:s30] =	ssyncset.done $0x0  }
0x16: {  	[sflag:s30] =	ssyncadd.s32 $0xFFFFC000  }
0x17: {  	_ =	swait.ge [sflag:s30], $0x4000  }
0x18: {  	[sflag:s30] =	ssyncset.done $0x0  }
0x19: {  	[sflag:s30] =	ssyncadd.s32 $0xFFFFC000  }
0x1a: {  	_ =	swait.ge [sflag:s30], $0x800  }
0x1b: {  	[sflag:s30] =	ssyncset.done $0x0  }
0x1c: {  	[sflag:s30] =	ssyncadd.s32 $0xFFFFF800  }
0x1d: {  	_ =	swait.ge [sflag:s30], $0x80  }
0x1e: {  	[sflag:s30] =	ssyncset.done $0x0  }
0x1f: {  	[sflag:s30] =	ssyncadd.s32 $0xFFFFFF80  }
0x20: {  	_ =	swait.ge [sflag:s30], $0x80  }
0x21: {  	v1 =	vlaneseq.u32;
	s31 =	sadd.s32 s8, s7;
	[sflag:s30] =	ssyncset.done $0x0  }
0x22: {  	v0 =	vmul.u32 $0x80, v1;
	v1 =	vmul.u32 $0x400, v1;
	s8 =	simm.s32 $0x0;
	s7 =	sadd.s32 $0x14800, s31;
	[sflag:s30] =	ssyncadd.s32 $0xFFFFFF80  }
.LBB2_2:
0x23: {  	v2 =	vmov s8;
	_ =	sdelay $0x4  }
0x24: {  	v3 =	vld.idx.msk [tilespmem:v2+s5+$0x0], $0xffff;
	_ =	sdelay $0x3  }
0x25: {  	v4 =	vor.u32 s8, v0  }
0x26: {  	v3 =	vadd.s32 v1, v3;
	_ =	sdelay $0x1  }
0x27: {  	v2 =	vld.idx.msk [tilespmem:v2+s6+$0x0], $0xffff;
	_ =	sdelay $0x1  }
0x28: {  	v4 =	vld.idx.msk [tilespmem:v4+s4+$0x0], $0xffff  }
0x29: {  	v3 =	vld.idx.msk [tilespmem:v3+s3+$0x0], $0xffff;
	_ =	sdelay $0x1  }
0x2a: {  	s9 =	sadd.s32 $0x1, s8;
	v2 =	vadd.s32 v1, v2  }
0x2b: {  	v5 =	vmov s9;
	_ =	sdelay $0x1  }
0x2c: {  	v3 =	vmul.f32 v3, v4;
	_ =	sdelay $0x1  }
0x2d: {  	[tilespmem:v2+s2+$0x0] =	vst.idx.add.f32.msk $0xffff, v3  }
0x2e: {  	v2 =	vld.idx.msk [tilespmem:v5+s5+$0x0], $0xffff;
	_ =	sdelay $0x3  }
0x2f: {  	v3 =	vor.u32 s9, v0  }
0x30: {  	v2 =	vadd.s32 v1, v2;
	_ =	sdelay $0x1  }
0x31: {  	v63 =	vld.idx.msk [tilespmem:v5+s6+$0x0], $0xffff;
	_ =	sdelay $0x1  }
0x32: {  	v3 =	vld.idx.msk [tilespmem:v3+s4+$0x0], $0xffff  }
0x33: {  	v2 =	vld.idx.msk [tilespmem:v2+s3+$0x0], $0xffff;
	_ =	sdelay $0x1  }
0x34: {  	p0 =	sne.s32 s8, $0x7E;
	v4 =	vadd.s32 v1, v63  }
.Ltmp1:
0x35: {  	_ = 	snop;
	(pc) =	sbr.rel @p0 .LBB2_2-.Ltmp1, $3  }
0x36: {  	_ = 	snop  }
0x37: {  	v2 =	vmul.f32 v2, v3;
	_ =	sdelay $0x1  }
0x38: {  	s8 =	sadd.s32 $0x2, s8;
	[tilespmem:v4+s2+$0x0] =	vst.idx.add.f32.msk $0xffff, v2  }
0x39: {  	s2 =	simm.s32 $0x0;
	s31 =	simm.s32 $0x2  }
0x3a: {  	[hbm4b:s7+s2] =	stream.linear.scatter [tilespmem:s2], [sflag:$0x2], $0x4000, $0x38;
	[tilespmem:$0x8900] =	vst v63  }
0x3b: {  	_ =	swait.ge [sflag:s31], $0x4000  }
0x3c: {  	[sflag:s31] =	ssyncset.done $0x0  }
0x3d: {  	[sflag:s31] =	ssyncadd.s32 $0xFFFFC000  }
.LBB2_4:
0x3e: {  	_ =	sfence.sel $0x180000  }
0x3f: {  	[bflag:$0x0] =	sbarrier.arrive $0xFFFF  }
0x40: {  	p0 =	sne.s32 s1, $0x0;
	_ =	strace $0x90000050  }
0x41: {  	s0 =	sadd.s32 @!p0 $0x100000, s0;
	[bflag:$0x2] =	sbarrier.arrive $0xFFFF  }
0x42: {  	[sflag:s0] =	ssyncadd.tile.s32 @!p0 $0x1;
	_ =	shalt  }
.Lfunc_end2:
_tile_overlayer_lowered:
.L_overlay_start_2:
0x43: {  	(tag) =	ssettag $0x2  }
0x44: {  	s0 =	rddreg [dreg:$0x0];
	s2 =	stileid.u32  }
0x45: {  	s1 =	rddreg [dreg:$0x1];
	p0 =	sne.s32 s2, $0x0  }
0x46: {  	s3 =	rddreg [dreg:$0x2];
	[bflag:$0x3] =	sbarrier.arrive $0xFFFF;
	s2 =	simm.s32 @!p0 $0x1C02  }
0x47: {  	[timem:s3], [sflag:s2] =	dma.local @!p0 [hbm:s0], s1  }
0x48: {  	s0 =	simm.s32 @!p0 $0x2  }
0x49: {  	_ =	swait.ge @!p0 [sflag:s0], s1  }
0x4a: {  	s1 =	ssub.s32 @!p0 $0x0, s1;
	[sflag:s0] =	ssyncset.done @!p0 $0x0  }
0x4b: {  	[sflag:s0] =	ssyncadd.s32 @!p0 s1  }
0x4c: {  	[bflag:$0x3] =	sbarrier.arrive $0xFFFF  }
0x4d: {  	_ =	shalt  }

// kernel: kernel.24.cloned.1.call-start
scs
__scs_entry_jumppad:
0x0: {  	(pc) =	sbr.rel $0x88, $3  }
0x1: {  	(tag) =	ssettag $0x0;
	lr =	simm.s32 $0x1  }
0x2: {  	[smem:$0x3F8B] =	sst lr;
	_ =	strace $0xD0000000  }
0x3: {  	_ = 	snop  }
0x4: {  	_ = 	snop  }
0x5: {  	_ = 	snop  }
0x6: {  	_ = 	snop  }
0x7: {  	_ = 	snop  }
__scs_overlays_trampoline_lowered:
0x8: {  	[smem:$0x3F9A] =	sst s0  }
0x9: {  	[smem:$0x3F9B] =	sst s1  }
0xa: {  	[smem:$0x3F9C] =	sst s2  }
0xb: {  	[smem:$0x3F9D] =	sst s3  }
0xc: {  	[smem:$0x3F9E] =	sst s4  }
0xd: {  	[smem:$0x3F9F] =	sst s5  }
0xe: {  	[smem:$0x3FA0] =	sst s6  }
0xf: {  	[smem:$0x3FA1] =	sst s7  }
0x10: {  	[smem:$0x3FA2] =	sst s8  }
0x11: {  	[smem:$0x3FA3] =	sst s9;
	s0 =	simm.s32 @!p0 $0x0  }
0x12: {  	s1 =	sld [smem:$0x3F89];
	s0 =	simm.s32 @p0 $0x1  }
0x13: {  	[smem:$0x3FA4] =	sst s0;
	s0 =	simm.s32 @!p1 $0x0  }
0x14: {  	s2 =	sld [smem:$0x3F88];
	s0 =	simm.s32 @p1 $0x1  }
0x15: {  	[smem:$0x3FA5] =	sst s0;
	s0 =	simm.s32 @!p2 $0x0  }
0x16: {  	s3 =	sld [smem:$0x3FDB];
	s0 =	simm.s32 @p2 $0x1  }
0x17: {  	s4 =	simm.s32 $0x1BF5;
	[smem:$0x3FA7] =	sst s0  }
0x18: {  	s0 =	sld [smem:$0x3F8A];
	_ =	swait.ge [sflag:s4], $0x0  }
0x19: {  	s7 =	sld [smem:$0x3F8B]  }
0x1a: {  	s8 =	sadd.s32 $0xFFFFE003, lr  }
0x1b: {  	s9 =	sadd.s32 $0xFFFFFEF7, lr;
	s5 =	simm.s32 $0xFFFFFFFF;
	p2 =	slt.u32 s8, $0xFFFFF086  }
0x1c: {  	p1 =	slt.u32 s9, $0xF7A;
	s5 =	simm.s32 @!p2 $0x0  }
0x1d: {  	s5 =	simm.s32 @p1 $0x1;
	p0 =	seq.s32 s7, s2  }
0x1e: {  	s7 =	smul.u32 @!p0 $0xF7A, s2;
	p2 =	seq.s32 @!p0 s5, $0x0  }
0x1f: {  	s9 =	smul.u32 $0xF7A, s1;
	s8 =	simm.s32 @!p0 $0x1BF5;
	p2 =	por !p2, p0  }
0x20: {  	[sflag:s8] =	ssyncset.s32 @!p0 $0xFFFFF086;
	s6 =	sadd.s32 @!p0 s3, s7;
	s7 =	simm.s32 @!p0 $0x108  }
0x21: {  	s3 =	sadd.s32 s3, s9;
	s6 =	sadd.s32 @!p0 $0x88, s6;
	s7 =	simm.s32 @p2 $0x1082  }
0x22: {  	[simem:s7], [sflag:s8] =	dma.local @!p0 [hbm:s6], $0xF7A  }
0x23: {  	s9 =	sor.u32 $0xD0000000, s2;
	s6 =	simm.s32 $0x108;
	_ =	swait.ge @!p0 [sflag:s8], $0x0  }
0x24: {  	s3 =	sadd.s32 $0x88, s3;
	s6 =	simm.s32 @!p1 $0x1082;
	[sflag:s4] =	ssyncset.s32 $0xFFFFF086  }
0x25: {  	[simem:s6], [sflag:s4] =	dma.local [hbm:s3], $0xF7A  }
0x26: {  	[smem:$0x3F8B] =	sst s1;
	(tag) =	ssettag s2;
	_ =	strace s9  }
0x27: {  	s1 =	sld [smem:$0x3F9B]  }
0x28: {  	s2 =	sld [smem:$0x3F9C]  }
0x29: {  	s4 =	sld [smem:$0x3F9E]  }
0x2a: {  	p0 =	seq.s32 s5, $0x0;
	s5 =	sld [smem:$0x3F9F]  }
0x2b: {  	s6 =	sld [smem:$0x3FA0]  }
0x2c: {  	s7 =	sld [smem:$0x3FA1]  }
0x2d: {  	s3 =	simm.s32 $0x108;
	s8 =	sld [smem:$0x3FA2]  }
0x2e: {  	s3 =	simm.s32 @!p0 $0x1082;
	s9 =	sld [smem:$0x3FA3]  }
0x2f: {  	lr =	sadd.s32 s0, s3;
	s0 =	sld [smem:$0x3F9A]  }
0x30: {  	s3 =	sld [smem:$0x3F9D]  }
0x31: {  	[smem:$0x3FA6] =	sst s10  }
0x32: {  	s10 =	sld [smem:$0x3FA4];
	_ =	sdelay $0x3  }
0x33: {  	p0 =	seq.s32 s10, $0x1;
	s10 =	sld [smem:$0x3FA6];
	_ =	sdelay $0x3  }
0x34: {  	[smem:$0x3FA6] =	sst s10  }
0x35: {  	s10 =	sld [smem:$0x3FA5];
	_ =	sdelay $0x3  }
0x36: {  	p1 =	seq.s32 s10, $0x1;
	s10 =	sld [smem:$0x3FA6];
	_ =	sdelay $0x3  }
0x37: {  	[smem:$0x3FA6] =	sst s10  }
0x38: {  	s10 =	sld [smem:$0x3FA7]  }
0x39: {  	_ = 	snop;
	(pc) =	sbr.ind lr, $3  }
0x3a: {  	_ = 	snop  }
0x3b: {  	_ = 	snop  }
0x3c: {  	p2 =	seq.s32 s10, $0x1;
	s10 =	sld [smem:$0x3FA6]  }
0x3d: {  	_ =	shalt  }
0x3e: {  	_ =	shalt  }
0x3f: {  	_ =	shalt  }
0x40: {  	_ =	shalt  }
0x41: {  	_ =	shalt  }
0x42: {  	_ =	shalt  }
0x43: {  	_ =	shalt  }
0x44: {  	_ =	shalt  }
0x45: {  	_ =	shalt  }
0x46: {  	_ =	shalt  }
0x47: {  	_ =	shalt  }
0x48: {  	_ =	shalt  }
0x49: {  	_ =	shalt  }
0x4a: {  	_ =	shalt  }
0x4b: {  	_ =	shalt  }
0x4c: {  	_ =	shalt  }
0x4d: {  	_ =	shalt  }
0x4e: {  	_ =	shalt  }
0x4f: {  	_ =	shalt  }
0x50: {  	_ =	shalt  }
0x51: {  	_ =	shalt  }
0x52: {  	_ =	shalt  }
0x53: {  	_ =	shalt  }
0x54: {  	_ =	shalt  }
0x55: {  	_ =	shalt  }
0x56: {  	_ =	shalt  }
0x57: {  	_ =	shalt  }
0x58: {  	_ =	shalt  }
0x59: {  	_ =	shalt  }
0x5a: {  	_ =	shalt  }
0x5b: {  	_ =	shalt  }
0x5c: {  	_ =	shalt  }
0x5d: {  	_ =	shalt  }
0x5e: {  	_ =	shalt  }
0x5f: {  	_ =	shalt  }
0x60: {  	_ =	shalt  }
0x61: {  	_ =	shalt  }
0x62: {  	_ =	shalt  }
0x63: {  	_ =	shalt  }
0x64: {  	_ =	shalt  }
0x65: {  	_ =	shalt  }
0x66: {  	_ =	shalt  }
0x67: {  	_ =	shalt  }
0x68: {  	_ =	shalt  }
0x69: {  	_ =	shalt  }
0x6a: {  	_ =	shalt  }
0x6b: {  	_ =	shalt  }
0x6c: {  	_ =	shalt  }
0x6d: {  	_ =	shalt  }
0x6e: {  	_ =	shalt  }
0x6f: {  	_ =	shalt  }
0x70: {  	_ =	shalt  }
0x71: {  	_ =	shalt  }
0x72: {  	_ =	shalt  }
0x73: {  	_ =	shalt  }
0x74: {  	_ =	shalt  }
0x75: {  	_ =	shalt  }
0x76: {  	_ =	shalt  }
0x77: {  	_ =	shalt  }
0x78: {  	_ =	shalt  }
0x79: {  	_ =	shalt  }
0x7a: {  	_ =	shalt  }
0x7b: {  	_ =	shalt  }
0x7c: {  	_ =	shalt  }
0x7d: {  	_ =	shalt  }
0x7e: {  	_ =	shalt  }
0x7f: {  	_ =	shalt  }
0x80: {  	_ =	shalt  }
0x81: {  	_ =	shalt  }
0x82: {  	_ =	shalt  }
0x83: {  	_ =	shalt  }
0x84: {  	_ =	shalt  }
0x85: {  	_ =	shalt  }
0x86: {  	_ =	shalt  }
0x87: {  	_ =	shalt  }
.Lfunc_end0:
.L_simem_size_0:
called_computation.4_lowered:
.L_overlay_start_0:
0x88: {  	s2 =	sld [smem:$0x3FD9]  }
0x89: {  	s3 =	sld [smem:$0x3FFE];
	_ =	sdelay $0x1  }
0x8a: {  	s1 =	srdreg.scid  }
0x8b: {  	s0 =	sand.u32 $0x1, s1  }
0x8c: {  	s17 =	sshll.u32 s0, $0xA;
	s2 =	sadd.s32 s3, s2  }
0x8d: {  	s2 =	sadd.s32 s2, s17  }
0x8e: {  	[smem:$0x3FB2] =	sst s2  }
0x8f: {  	_ = 	snop  }
0x90: {  	s2 =	sld [smem:$0x3FD0];
	(tm) =	ssettm $0x1  }
0x91: {  	s18 =	sld [smem:$0x3FFB];
	_ =	sdelay $0x3  }
0x92: {  	_ =	strace s18  }
0x93: {  	s3 =	sld [smem:$0x3FFC];
	_ =	sdelay $0x3  }
0x94: {  	_ =	strace s3  }
0x95: {  	s3 =	sld [smem:$0x3FFD];
	_ =	sdelay $0x3  }
0x96: {  	_ =	strace s3  }
0x97: {  	_ =	strace $0x8FFFFFFF  }
0x98: {  	s19 =	sld [smem:$0x3FDB];
	_ =	sdelay $0x1  }
0x99: {  	s4 =	simm.s32 $_scs_section_size  }
0x9a: {  	s5 =	simm.s32 $_size__tile_overlayer_lowered;
	s6 =	simm.s32 $_tile_overlayer_lowered  }
0x9b: {  	s22 =	simm.s32 $0x1BFF;
	s21 =	sshll.u32 s6, $0x1;
	s3 =	sadd.s32 s4, s19  }
0x9c: {  	s7 =	simm.s32 $0x0;
	s20 =	sshll.u32 s5, $0x1;
	s5 =	sadd.s32 s21, s3  }
0x9d: {  	[timem:s7], [sflag:s22] =	dma.local [hbm:s5], s20  }
0x9e: {  	_ =	swait.ge [sflag:s22], s20  }
0x9f: {  	s4 =	ssub.s32 $0x0, s20;
	[sflag:s22] =	ssyncset.done $0x0  }
0xa0: {  	[sflag:s22] =	ssyncadd.s32 s4;
	_ =	sdelay $0x1  }
0xa1: {  	s23 =	simm.s32 $0x1B8B  }
0xa2: {  	_ =	swait.ge [sflag:s23], $0x1  }
0xa3: {  	[sflag:s23] =	ssyncset.done $0x0  }
0xa4: {  	s25 =	simm.s32 $0x1B8E;
	s24 =	sld [smem:$0x3FFE];
	[sflag:s23] =	ssyncadd.s32 $0xFFFFFFFF  }
0xa5: {  	s26 =	simm.s32 $execute0_lowered;
	[smem:$0x3FD2] =	sst s25  }
0xa6: {  	s5 =	sshll.u32 s26, $0x1;
	_ =	strace $0x80000052;
	[dreg:$0x1] =	wrdreg $0xFFFFFFFF  }
0xa7: {  	s28 =	simm.s32 $_size_execute0_lowered;
	s3 =	sadd.s32 s3, s5;
	[dreg:$0x0] =	wrdreg $0x0  }
0xa8: {  	s5 =	sshll.u32 s28, $0x1;
	[dreg:$0x2] =	wrdreg s3  }
0xa9: {  	[dreg:$0x3] =	wrdreg s5  }
0xaa: {  	[dreg:$0x4] =	wrdreg $0xC0  }
0xab: {  	_ =	task [dreg:s7], $0x5FFFF  }
0xac: {  	[dreg:$0x1] =	wrdreg $0xFFFFFFFF  }
0xad: {  	[dreg:$0x0] =	wrdreg $0x60  }
0xae: {  	[dreg:$0x2] =	wrdreg s24  }
0xaf: {  	[dreg:$0x3] =	wrdreg s2  }
0xb0: {  	[dreg:$0x4] =	wrdreg $0x9  }
0xb1: {  	_ =	task.clear_ibuf [dreg:s7], $0x5FFFF;
	_ =	strace $0x90000052  }
0xb2: {  	s29 =	simm.s32 $0x9;
	_ =	strace $0x80000054  }
0xb3: {  	_ =	swait.ge [sflag:s29], $0x1  }
0xb4: {  	[sflag:s29] =	ssyncadd.s32 $0xFFFFFFFF  }
0xb5: {  	_ =	strace $0x90000054  }
0xb6: {  	_ =	sfence  }
0xb7: {  	s30 =	sld [smem:$0x0];
	_ =	sdelay $0x2  }
0xb8: {  	s31 =	sshll.u32 s1, $0xD;
	s1 =	sshrl.u32 s1, $0x2  }
0xb9: {  	s3 =	sand.u32 $0x4000, s31;
	s1 =	sadd.s32 s1, s30  }
0xba: {  	s0 =	sor.u32 s3, s0;
	s1 =	sshll.u32 s1, $0x11  }
0xbb: {  	s0 =	sor.u32 s1, s0  }
0xbc: {  	s0 =	sadd.s32 $0x8F2B, s0  }
0xbd: {  	[sflag:s0] =	ssyncadd.remote.s32 $0x1  }
0xbe: {  	_ =	sfence.sel $0xFFFF  }
0xbf: {  	[dreg:$0x0] =	wrdreg $0xFFFFFFFF;
	(pc) =	sbr.abs _section_cstart, $3  }
0xc0: {  	[dreg:$0x1] =	wrdreg $0xFFFFFFFF  }
0xc1: {  	_ =	task.clear_ibuf [dreg:s7], $0x2FFFF;
	_ =	strace $0x9FFFFFFF  }
0xc2: {  	(tm) =	ssettm $0x7FFFFFFF  }
0xc3: {  	_ =	shalt  }
tec
execute0_lowered:
.L_overlay_start_1:
0x0: {  	(tag) =	ssettag $0x1  }
0x1: {  	s1 =	srdreg.scid  }
0x2: {  	s1 =	sand.u32 $0x1, s1  }
0x3: {  	p0 =	seq.s32 s1, $0x1  }
.Ltmp0:
0x4: {  	_ = 	snop;
	(pc) =	sbr.rel @p0 .LBB2_4-.Ltmp0, $4  }
0x5: {  	s7 =	rddreg [dreg:$0x0]  }
0x6: {  	s4 =	rddreg [dreg:$0x1];
	s2 =	simm.s32 $0x0  }
0x7: {  	[smem:$0x7FF] =	sst s2  }
0x8: {  	s0 =	rddreg [dreg:$0x2];
	_ =	strace $0x80000053;
	s1 =	stileid.u32  }
0x9: {  	s3 =	sadd.s32 $0xC400, s7;
	s8 =	sshll.u32 s1, $0xB  }
0xa: {  	s5 =	sadd.s32 $0x4400, s7;
	s3 =	sadd.s32 s3, s8  }
0xb: {  	[tilespmem:s2], [sflag:$0x1] =	stream.linear.gather [hbm4b:s3+s2], $0x4000, $0x38;
	[tilespmem:$0x8900] =	vst v63  }
0xc: {  	s6 =	sshll.u32 s1, $0x8;
	s5 =	sadd.s32 s5, s8;
	s3 =	simm.s32 $0x4000  }
0xd: {  	[tilespmem:s3], [sflag:$0x1] =	stream.linear.gather [hbm4b:s5+s2], $0x4000, $0x38;
	[tilespmem:$0x8900] =	vst v63  }
0xe: {  	s28 =	sadd.s32 s4, s6;
	s4 =	simm.s32 $0x8000  }
0xf: {  	[tilespmem:s4], [sflag:$0x1] =	stream.linear.gather [hbm4b:s28+s2], $0x800, $0x38;
	[tilespmem:$0x8900] =	vst v63  }
0x10: {  	s29 =	sadd.s32 $0x14400, s7;
	s5 =	simm.s32 $0x8800  }
0x11: {  	[tilespmem:s5], [sflag:$0x1] =	stream.linear.gather [hbm4b:s29+s2], $0x80, $0x38;
	[tilespmem:$0x8900] =	vst v63  }
0x12: {  	s9 =	sadd.s32 $0x14600, s7;
	s30 =	simm.s32 $0x1;
	s6 =	simm.s32 $0x8880  }
0x13: {  	[tilespmem:s6], [sflag:$0x1] =	stream.linear.gather [hbm4b:s9+s2], $0x80, $0x38;
	[tilespmem:$0x8900] =	vst v63  }
0x14: {  	_ =	swait.ge [sflag:s30], $0x4000  }
0x15: {  	[sflag:s30] =	ssyncset.done $0x0  }
0x16: {  	[sflag:s30] =	ssyncadd.s32 $0xFFFFC000  }
0x17: {  	_ =	swait.ge [sflag:s30], $0x4000  }
0x18: {  	[sflag:s30] =	ssyncset.done $0x0  }
0x19: {  	[sflag:s30] =	ssyncadd.s32 $0xFFFFC000  }
0x1a: {  	_ =	swait.ge [sflag:s30], $0x800  }
0x1b: {  	[sflag:s30] =	ssyncset.done $0x0  }
0x1c: {  	[sflag:s30] =	ssyncadd.s32 $0xFFFFF800  }
0x1d: {  	_ =	swait.ge [sflag:s30], $0x80  }
0x1e: {  	[sflag:s30] =	ssyncset.done $0x0  }
0x1f: {  	[sflag:s30] =	ssyncadd.s32 $0xFFFFFF80  }
0x20: {  	_ =	swait.ge [sflag:s30], $0x80  }
0x21: {  	v1 =	vlaneseq.u32;
	s31 =	sadd.s32 s8, s7;
	[sflag:s30] =	ssyncset.done $0x0  }
0x22: {  	v0 =	vmul.u32 $0x80, v1;
	v1 =	vmul.u32 $0x400, v1;
	s8 =	simm.s32 $0x0;
	s7 =	sadd.s32 $0x14800, s31;
	[sflag:s30] =	ssyncadd.s32 $0xFFFFFF80  }
.LBB2_2:
0x23: {  	v2 =	vmov s8;
	_ =	sdelay $0x4  }
0x24: {  	v3 =	vld.idx.msk [tilespmem:v2+s5+$0x0], $0xffff;
	_ =	sdelay $0x3  }
0x25: {  	v4 =	vor.u32 s8, v0  }
0x26: {  	v3 =	vadd.s32 v1, v3;
	_ =	sdelay $0x1  }
0x27: {  	v2 =	vld.idx.msk [tilespmem:v2+s6+$0x0], $0xffff;
	_ =	sdelay $0x1  }
0x28: {  	v4 =	vld.idx.msk [tilespmem:v4+s4+$0x0], $0xffff  }
0x29: {  	v3 =	vld.idx.msk [tilespmem:v3+s3+$0x0], $0xffff;
	_ =	sdelay $0x1  }
0x2a: {  	s9 =	sadd.s32 $0x1, s8;
	v2 =	vadd.s32 v1, v2  }
0x2b: {  	v5 =	vmov s9;
	_ =	sdelay $0x1  }
0x2c: {  	v3 =	vmul.f32 v3, v4;
	_ =	sdelay $0x1  }
0x2d: {  	[tilespmem:v2+s2+$0x0] =	vst.idx.add.f32.msk $0xffff, v3  }
0x2e: {  	v2 =	vld.idx.msk [tilespmem:v5+s5+$0x0], $0xffff;
	_ =	sdelay $0x3  }
0x2f: {  	v3 =	vor.u32 s9, v0  }
0x30: {  	v2 =	vadd.s32 v1, v2;
	_ =	sdelay $0x1  }
0x31: {  	v63 =	vld.idx.msk [tilespmem:v5+s6+$0x0], $0xffff;
	_ =	sdelay $0x1  }
0x32: {  	v3 =	vld.idx.msk [tilespmem:v3+s4+$0x0], $0xffff  }
0x33: {  	v2 =	vld.idx.msk [tilespmem:v2+s3+$0x0], $0xffff;
	_ =	sdelay $0x1  }
0x34: {  	p0 =	sne.s32 s8, $0x7E;
	v4 =	vadd.s32 v1, v63  }
.Ltmp1:
0x35: {  	_ = 	snop;
	(pc) =	sbr.rel @p0 .LBB2_2-.Ltmp1, $3  }
0x36: {  	_ = 	snop  }
0x37: {  	v2 =	vmul.f32 v2, v3;
	_ =	sdelay $0x1  }
0x38: {  	s8 =	sadd.s32 $0x2, s8;
	[tilespmem:v4+s2+$0x0] =	vst.idx.add.f32.msk $0xffff, v2  }
0x39: {  	s2 =	simm.s32 $0x0;
	s31 =	simm.s32 $0x2  }
0x3a: {  	[hbm4b:s7+s2] =	stream.linear.scatter [tilespmem:s2], [sflag:$0x2], $0x4000, $0x38;
	[tilespmem:$0x8900] =	vst v63  }
0x3b: {  	_ =	swait.ge [sflag:s31], $0x4000  }
0x3c: {  	[sflag:s31] =	ssyncset.done $0x0  }
0x3d: {  	[sflag:s31] =	ssyncadd.s32 $0xFFFFC000  }
.LBB2_4:
0x3e: {  	_ =	sfence.sel $0x180000  }
0x3f: {  	[bflag:$0x0] =	sbarrier.arrive $0xFFFF  }
0x40: {  	p0 =	sne.s32 s1, $0x0;
	_ =	strace $0x90000053  }
0x41: {  	s0 =	sadd.s32 @!p0 $0x100000, s0;
	[bflag:$0x2] =	sbarrier.arrive $0xFFFF  }
0x42: {  	[sflag:s0] =	ssyncadd.tile.s32 @!p0 $0x1;
	_ =	shalt  }
.Lfunc_end2:
_tile_overlayer_lowered:
.L_overlay_start_2:
0x43: {  	(tag) =	ssettag $0x2  }
0x44: {  	s0 =	rddreg [dreg:$0x0];
	s2 =	stileid.u32  }
0x45: {  	s1 =	rddreg [dreg:$0x1];
	p0 =	sne.s32 s2, $0x0  }
0x46: {  	s3 =	rddreg [dreg:$0x2];
	[bflag:$0x3] =	sbarrier.arrive $0xFFFF;
	s2 =	simm.s32 @!p0 $0x1C02  }
0x47: {  	[timem:s3], [sflag:s2] =	dma.local @!p0 [hbm:s0], s1  }
0x48: {  	s0 =	simm.s32 @!p0 $0x2  }
0x49: {  	_ =	swait.ge @!p0 [sflag:s0], s1  }
0x4a: {  	s1 =	ssub.s32 @!p0 $0x0, s1;
	[sflag:s0] =	ssyncset.done @!p0 $0x0  }
0x4b: {  	[sflag:s0] =	ssyncadd.s32 @!p0 s1  }
0x4c: {  	[bflag:$0x3] =	sbarrier.arrive $0xFFFF  }
0x4d: {  	_ =	shalt  }

</sc_bundles>
